<compile_context>
chip_gen: v7x
topology: tpu7x:2x2x1
jax: 0.10.2.dev20260603
libtpu: 0.0.44.dev20260713+nightly
codegen_flags: <defaults>
</compile_context>

<pallas_src>
import functools

import jax
import jax.numpy as jnp
from jax import lax
from jax.experimental import pallas as pl
from jax.experimental.pallas import tpu as pltpu
from jax.experimental.pallas import tpu_sc as plsc

IN_DIM = 128
HIDDEN_DIM = 128
OUT_DIM = 128
N_NODES = 10000
N_EDGES = 320000
N_CH = 4
N_PAIR = 2

SC_CORES = 2
SC_SUBCORES = 16
NW = SC_CORES * SC_SUBCORES
EPW = N_EDGES // NW
CHUNK = 80
N_CHUNKS = EPW // CHUNK
_MAIN_PAIRS = (N_CHUNKS - 1) // 2


def _rtne_bf16_bits(x_f32):
    b = lax.bitcast_convert_type(x_f32, jnp.int32)
    return (b + jnp.int32(0x7FFF) + ((b >> 16) & jnp.int32(1))) >> 16


_PRE_BN = 2000


def _pre_body(emb_e_ref, emb_o_ref, w1s_ref, w1d_ref, b1_ref, a_ref, b_ref):
    emb_e = emb_e_ref[0]
    emb_o = emb_o_ref[0]
    w1s = w1s_ref[...]
    w1d = w1d_ref[...]
    b1v = b1_ref[...]
    mask = jnp.int32(0xFFFF)

    def pack(lo_f32, hi_f32):
        lo = _rtne_bf16_bits(lo_f32) & mask
        hi = _rtne_bf16_bits(hi_f32) << 16
        return lo | hi

    a_e = jnp.dot(emb_e, w1s, preferred_element_type=jnp.float32) + b1v
    a_o = jnp.dot(emb_o, w1s, preferred_element_type=jnp.float32) + b1v
    b_e = jnp.dot(emb_e, w1d, preferred_element_type=jnp.float32)
    b_o = jnp.dot(emb_o, w1d, preferred_element_type=jnp.float32)
    a_ref[0] = pack(a_e, a_o)
    b_ref[0] = pack(b_e, b_o)


def _precompute(mc_embeddings, w1s_t, w1d_t, b1_row):
    grid = (N_PAIR, N_NODES // _PRE_BN)
    emb_spec_e = pl.BlockSpec((1, _PRE_BN, IN_DIM), lambda p, n: (2 * p, n, 0))
    emb_spec_o = pl.BlockSpec(
        (1, _PRE_BN, IN_DIM), lambda p, n: (2 * p + 1, n, 0)
    )
    return pl.pallas_call(
        _pre_body,
        grid=grid,
        in_specs=[
            emb_spec_e,
            emb_spec_o,
            pl.BlockSpec((IN_DIM, HIDDEN_DIM), lambda p, n: (0, 0)),
            pl.BlockSpec((IN_DIM, HIDDEN_DIM), lambda p, n: (0, 0)),
            pl.BlockSpec((1, HIDDEN_DIM), lambda p, n: (0, 0)),
        ],
        out_specs=[
            pl.BlockSpec((1, _PRE_BN, HIDDEN_DIM), lambda p, n: (p, n, 0)),
            pl.BlockSpec((1, _PRE_BN, HIDDEN_DIM), lambda p, n: (p, n, 0)),
        ],
        out_shape=[
            jax.ShapeDtypeStruct((N_PAIR, N_NODES, HIDDEN_DIM), jnp.int32),
            jax.ShapeDtypeStruct((N_PAIR, N_NODES, HIDDEN_DIM), jnp.int32),
        ],
    )(mc_embeddings, mc_embeddings, w1s_t, w1d_t, b1_row)


def _sc_body(a_hbm, b_hbm, src_hbm, dst_hbm, p_out,
             idx_s, idx_d, buf_a0, buf_a1, buf_b0, buf_b1, res0, res1,
             sem_g0, sem_g1, sem_s0, sem_s1):
    cid = lax.axis_index("c")
    sid = lax.axis_index("s")
    wid = sid * SC_CORES + cid
    base = wid * EPW
    buf_a = (buf_a0, buf_a1)
    buf_b = (buf_b0, buf_b1)
    res = (res0, res1)
    sem_g = (sem_g0, sem_g1)
    sem_s = (sem_s0, sem_s1)

    pltpu.sync_copy(src_hbm.at[pl.ds(base, EPW)], idx_s)
    pltpu.sync_copy(dst_hbm.at[pl.ds(base, EPW)], idx_d)

    def issue_gathers(j, p):
        isl = idx_s.at[pl.ds(j * CHUNK, CHUNK)]
        idl = idx_d.at[pl.ds(j * CHUNK, CHUNK)]
        pltpu.async_copy(a_hbm.at[isl], buf_a[p], sem_g[p])
        pltpu.async_copy(b_hbm.at[idl], buf_b[p], sem_g[p])

    def wait_gathers(p):
        isl = idx_s.at[pl.ds(0, CHUNK)]
        idl = idx_d.at[pl.ds(0, CHUNK)]
        pltpu.make_async_copy(a_hbm.at[isl], buf_a[p], sem_g[p]).wait()
        pltpu.make_async_copy(b_hbm.at[idl], buf_b[p], sem_g[p]).wait()

    def wait_scatter(p):
        pltpu.make_async_copy(
            res[p], p_out.at[pl.ds(base, CHUNK)], sem_s[p]
        ).wait()

    def step(j, p, guard_j2=None, last=False):
        q = 1 - p
        if not last:
            if guard_j2 is None:
                wait_scatter(q)
            else:
                @pl.when(guard_j2 > 0)
                def _():
                    wait_scatter(q)
            issue_gathers(j + 1, q)
        wait_gathers(p)
        a = buf_a[p]
        b = buf_b[p]
        r_buf = res[p]

        def add_body(r, carry):
            for c in range(HIDDEN_DIM // 16):
                va = plsc.bitcast(a[r, pl.ds(c * 16, 16)], jnp.bfloat16)
                vb = plsc.bitcast(b[r, pl.ds(c * 16, 16)], jnp.bfloat16)
                r_buf[r, pl.ds(c * 16, 16)] = plsc.bitcast(
                    va + vb, jnp.int32
                )
            return carry

        lax.fori_loop(0, CHUNK, add_body, 0)
        pltpu.async_copy(
            r_buf, p_out.at[pl.ds(base + j * CHUNK, CHUNK)], sem_s[p]
        )

    issue_gathers(0, 0)

    def body2(j2, carry):
        for jp in range(2):
            j = 2 * j2 + jp
            guard = j2 if jp == 0 else None
            step(j, jp, guard_j2=guard)
        return carry

    lax.fori_loop(0, _MAIN_PAIRS, body2, 0)

    step(N_CHUNKS - 1, (N_CHUNKS - 1) & 1, last=True)

    wait_scatter(0)
    wait_scatter(1)


def _sc_gather(a_tab, b_tab, src, dst):
    mesh = plsc.VectorSubcoreMesh(
        core_axis_name="c", subcore_axis_name="s",
        num_cores=SC_CORES, num_subcores=SC_SUBCORES,
    )
    f = pl.kernel(
        _sc_body,
        out_type=jax.ShapeDtypeStruct((N_EDGES, HIDDEN_DIM), jnp.int32),
        mesh=mesh,
        compiler_params=pltpu.CompilerParams(needs_layout_passes=False),
        scratch_types=[
            pltpu.VMEM((EPW,), jnp.int32),
            pltpu.VMEM((EPW,), jnp.int32),
            pltpu.VMEM((CHUNK, HIDDEN_DIM), jnp.int32),
            pltpu.VMEM((CHUNK, HIDDEN_DIM), jnp.int32),
            pltpu.VMEM((CHUNK, HIDDEN_DIM), jnp.int32),
            pltpu.VMEM((CHUNK, HIDDEN_DIM), jnp.int32),
            pltpu.VMEM((CHUNK, HIDDEN_DIM), jnp.int32),
            pltpu.VMEM((CHUNK, HIDDEN_DIM), jnp.int32),
            pltpu.SemaphoreType.DMA,
            pltpu.SemaphoreType.DMA,
            pltpu.SemaphoreType.DMA,
            pltpu.SemaphoreType.DMA,
        ],
    )
    return f(a_tab, b_tab, src, dst)


_MM_BE = 2000


def _mm_body(p_ref, w2t_ref, b2_ref, o_even, o_odd):
    w2t = w2t_ref[...]
    b2v = b2_ref[...]
    himask = jnp.int32(-65536)

    x = p_ref[...]
    lo = lax.bitcast_convert_type(x << 16, jnp.float32)
    hi = lax.bitcast_convert_type(x & himask, jnp.float32)
    h_e = jnp.maximum(lo, 0.0).astype(jnp.bfloat16)
    h_o = jnp.maximum(hi, 0.0).astype(jnp.bfloat16)
    o_even[...] = jnp.dot(h_e, w2t, preferred_element_type=jnp.float32) + b2v
    o_odd[...] = jnp.dot(h_o, w2t, preferred_element_type=jnp.float32) + b2v


def _final_mm(p_pair, w2_t, b2_row):
    grid = (N_EDGES // _MM_BE,)
    return pl.pallas_call(
        _mm_body,
        grid=grid,
        in_specs=[
            pl.BlockSpec((_MM_BE, HIDDEN_DIM), lambda e: (e, 0)),
            pl.BlockSpec((HIDDEN_DIM, OUT_DIM), lambda e: (0, 0)),
            pl.BlockSpec((1, OUT_DIM), lambda e: (0, 0)),
        ],
        out_specs=[pl.BlockSpec((_MM_BE, OUT_DIM), lambda e: (e, 0))] * 2,
        out_shape=[jax.ShapeDtypeStruct((N_EDGES, OUT_DIM), jnp.float32)] * 2,
    )(p_pair, w2_t, b2_row)


def kernel(edge_index, mc_embeddings, W1, b1, W2, b2):
    w1s_t = W1[:, :IN_DIM].T
    w1d_t = W1[:, IN_DIM:].T
    w2_t = W2.T.astype(jnp.bfloat16)
    b2_row = b2.reshape(1, OUT_DIM)
    a_pack, b_pack = _precompute(
        mc_embeddings, w1s_t, w1d_t, b1.reshape(1, HIDDEN_DIM)
    )
    src, dst = edge_index[0], edge_index[1]
    p01 = _sc_gather(a_pack[0], b_pack[0], src, dst)
    p23 = _sc_gather(a_pack[1], b_pack[1], src, dst)
    o0, o1 = _final_mm(p01, w2_t, b2_row)
    o2, o3 = _final_mm(p23, w2_t, b2_row)
    return (o0, o1, o2, o3)

# --- scband reference (transcript-rebuilt; emitter-appended) ---
"""Pipeline reference for scband-e2-rfuncttion-75041668596272 (READ-ONLY COPY).

The authoritative reference and input builder live on the scoring server;
editing this copy changes nothing except your own understanding.
"""

import jax, jax.numpy as jnp
import numpy as np

IN_DIM = 128
HIDDEN_DIM = 128
OUT_DIM = 128
N_NODES = 10000
N_EDGES = 320000
N_CHANNELS = 4


def setup_inputs(seed: int = 0) -> dict:
    key = jax.random.key(seed)
    k1, k2, k3, k4, k5, k6 = jax.random.split(key, 6)
    edge_index = jax.random.randint(k1, (2, N_EDGES), 0, N_NODES, dtype=jnp.int64 if jax.config.jax_enable_x64 else jnp.int32).astype(jnp.int32)
    mc_embeddings = jax.random.normal(k2, (N_CHANNELS, N_NODES, IN_DIM), dtype=jnp.float32)
    # Linear1: [hidden_dim, 2*in_dim], kaiming-style scale
    W1 = jax.random.normal(k3, (HIDDEN_DIM, 2 * IN_DIM), dtype=jnp.float32) * np.sqrt(2.0 / (2 * IN_DIM))
    b1 = jnp.zeros((HIDDEN_DIM,), dtype=jnp.float32)
    # Linear2: [out_dim, hidden_dim]
    W2 = jax.random.normal(k4, (OUT_DIM, HIDDEN_DIM), dtype=jnp.float32) * np.sqrt(2.0 / HIDDEN_DIM)
    b2 = jnp.zeros((OUT_DIM,), dtype=jnp.float32)
    return {"edge_index": edge_index, "mc_embeddings": mc_embeddings, "W1": W1, "b1": b1, "W2": W2, "b2": b2}


def reference(edge_index, mc_embeddings, W1, b1, W2, b2):
    src = edge_index[0, :]
    dst = edge_index[1, :]
    edge_reps = []
    for i in range(mc_embeddings.shape[0]):
        emb = mc_embeddings[i]
        # gather endpoint features and concatenate -> [E, 2*in_dim]
        edge_rep = jnp.concatenate([jnp.take(emb, src, axis=0), jnp.take(emb, dst, axis=0)], axis=1)
        h = jnp.maximum(edge_rep @ W1.T + b1, 0.0)
        out = h @ W2.T + b2
        edge_reps.append(out)
    return tuple(edge_reps)

if __name__ == "__main__":
    import jax
    _d = setup_inputs()
    print(jax.jit(kernel)(*tuple(_d.values())))

</pallas_src>

<mosaic_0001>
#map = affine_map<(d0, d1) -> (0, 0)>
#map1 = affine_map<(d0, d1) -> (0)>
module attributes {stable_mosaic.version = 14 : i64} {
  func.func @_sc_body(%arg0: i32, %arg1: i32, %arg2: memref<10000x128xi32, #tpu.memory_space<hbm>>, %arg3: memref<10000x128xi32, #tpu.memory_space<hbm>>, %arg4: memref<320000xi32, #tpu.memory_space<hbm>>, %arg5: memref<320000xi32, #tpu.memory_space<hbm>>, %arg6: memref<320000x128xi32, #tpu.memory_space<hbm>>, %arg7: memref<10000xi32, #tpu.memory_space<vmem>>, %arg8: memref<10000xi32, #tpu.memory_space<vmem>>, %arg9: memref<80x128xi32, #tpu.memory_space<vmem>>, %arg10: memref<80x128xi32, #tpu.memory_space<vmem>>, %arg11: memref<80x128xi32, #tpu.memory_space<vmem>>, %arg12: memref<80x128xi32, #tpu.memory_space<vmem>>, %arg13: memref<80x128xi32, #tpu.memory_space<vmem>>, %arg14: memref<80x128xi32, #tpu.memory_space<vmem>>, %arg15: memref<!tpu.dma_semaphore, #tpu.memory_space<semaphore_mem>>, %arg16: memref<!tpu.dma_semaphore, #tpu.memory_space<semaphore_mem>>, %arg17: memref<!tpu.dma_semaphore, #tpu.memory_space<semaphore_mem>>, %arg18: memref<!tpu.dma_semaphore, #tpu.memory_space<semaphore_mem>>) attributes {dimension_semantics = [#tpu.dimension_semantics<core_parallel>, #tpu.dimension_semantics<subcore_parallel>], iteration_bounds = array<i64: 2, 16>, scalar_prefetch = 0 : i64, scratch_operands = 12 : i64, tpu.core_type = #tpu.core_type<sc_vector_subcore>, window_params = [{transform_indices = #map}, {transform_indices = #map}, {transform_indices = #map1}, {transform_indices = #map1}, {transform_indices = #map}]} {
    %mul3A = arith.constant 2 : i32
    %mul3A_0 = arith.muli %arg1, %mul3A : i32
    %add3A = arith.addi %mul3A_0, %arg0 : i32
    %mul3A_1 = arith.constant 10000 : i32
    %mul3A_2 = arith.muli %add3A, %mul3A_1 : i32
    "tpu.region"() ({
      %run_scoped3A = tpu.sem_alloc : memref<!tpu.dma_semaphore, #tpu.memory_space<semaphore_mem>>
      %dma_start3A_46 = tpu.memref_slice %arg4[%mul3A_2] : memref<320000xi32, #tpu.memory_space<hbm>> -> memref<10000xi32, #tpu.memory_space<hbm>>
      %dma_start3A_47 = tpu.memref_slice %arg4[%mul3A_2] : memref<320000xi32, #tpu.memory_space<hbm>> -> memref<10000xi32, #tpu.memory_space<hbm>>
      tpu.enqueue_dma source(%dma_start3A_47 : memref<10000xi32, #tpu.memory_space<hbm>>) target(%arg7 : memref<10000xi32, #tpu.memory_space<vmem>>) target_semaphore(%run_scoped3A : memref<!tpu.dma_semaphore, #tpu.memory_space<semaphore_mem>>)
      %dma_wait3A_48 = tpu.memref_slice %arg4[%mul3A_2] : memref<320000xi32, #tpu.memory_space<hbm>> -> memref<10000xi32, #tpu.memory_space<hbm>>
      %dma_wait3A_49 = tpu.memref_slice %arg4[%mul3A_2] : memref<320000xi32, #tpu.memory_space<hbm>> -> memref<10000xi32, #tpu.memory_space<hbm>>
      tpu.wait_dma2 semaphore(%run_scoped3A : memref<!tpu.dma_semaphore, #tpu.memory_space<semaphore_mem>>) src(%dma_wait3A_49 : memref<10000xi32, #tpu.memory_space<hbm>>) dst(%arg7 : memref<10000xi32, #tpu.memory_space<vmem>>)
      tpu.yield
    }) : () -> ()
    "tpu.region"() ({
      %run_scoped3A = tpu.sem_alloc : memref<!tpu.dma_semaphore, #tpu.memory_space<semaphore_mem>>
      %dma_start3A_46 = tpu.memref_slice %arg5[%mul3A_2] : memref<320000xi32, #tpu.memory_space<hbm>> -> memref<10000xi32, #tpu.memory_space<hbm>>
      %dma_start3A_47 = tpu.memref_slice %arg5[%mul3A_2] : memref<320000xi32, #tpu.memory_space<hbm>> -> memref<10000xi32, #tpu.memory_space<hbm>>
      tpu.enqueue_dma source(%dma_start3A_47 : memref<10000xi32, #tpu.memory_space<hbm>>) target(%arg8 : memref<10000xi32, #tpu.memory_space<vmem>>) target_semaphore(%run_scoped3A : memref<!tpu.dma_semaphore, #tpu.memory_space<semaphore_mem>>)
      %dma_wait3A_48 = tpu.memref_slice %arg5[%mul3A_2] : memref<320000xi32, #tpu.memory_space<hbm>> -> memref<10000xi32, #tpu.memory_space<hbm>>
      %dma_wait3A_49 = tpu.memref_slice %arg5[%mul3A_2] : memref<320000xi32, #tpu.memory_space<hbm>> -> memref<10000xi32, #tpu.memory_space<hbm>>
      tpu.wait_dma2 semaphore(%run_scoped3A : memref<!tpu.dma_semaphore, #tpu.memory_space<semaphore_mem>>) src(%dma_wait3A_49 : memref<10000xi32, #tpu.memory_space<hbm>>) dst(%arg8 : memref<10000xi32, #tpu.memory_space<vmem>>)
      tpu.yield
    }) : () -> ()
    %dma_start3A = arith.constant 0 : i32
    %dma_start3A_3 = tpu.memref_slice %arg7[%dma_start3A] : memref<10000xi32, #tpu.memory_space<vmem>> -> memref<80xi32, #tpu.memory_space<vmem>>
    %dma_start3A_4 = arith.constant 0 : i32
    %dma_start3A_5 = arith.constant 0 : i32
    %dma_start3A_6 = tpu.memref_slice %arg2[%dma_start3A_4, %dma_start3A_5] : memref<10000x128xi32, #tpu.memory_space<hbm>> -> memref<10000x128xi32, #tpu.memory_space<hbm>>
    tpu.enqueue_indirect_dma source(%dma_start3A_6 : memref<10000x128xi32, #tpu.memory_space<hbm>>) target(%arg9 : memref<80x128xi32, #tpu.memory_space<vmem>>) offsets(%dma_start3A_3 : memref<80xi32, #tpu.memory_space<vmem>>) semaphore(%arg15 : memref<!tpu.dma_semaphore, #tpu.memory_space<semaphore_mem>>)
    %dma_start3A_7 = arith.constant 0 : i32
    %dma_start3A_8 = tpu.memref_slice %arg8[%dma_start3A_7] : memref<10000xi32, #tpu.memory_space<vmem>> -> memref<80xi32, #tpu.memory_space<vmem>>
    %dma_start3A_9 = arith.constant 0 : i32
    %dma_start3A_10 = arith.constant 0 : i32
    %dma_start3A_11 = tpu.memref_slice %arg3[%dma_start3A_9, %dma_start3A_10] : memref<10000x128xi32, #tpu.memory_space<hbm>> -> memref<10000x128xi32, #tpu.memory_space<hbm>>
    tpu.enqueue_indirect_dma source(%dma_start3A_11 : memref<10000x128xi32, #tpu.memory_space<hbm>>) target(%arg11 : memref<80x128xi32, #tpu.memory_space<vmem>>) offsets(%dma_start3A_8 : memref<80xi32, #tpu.memory_space<vmem>>) semaphore(%arg15 : memref<!tpu.dma_semaphore, #tpu.memory_space<semaphore_mem>>)
    %scan3A = arith.constant 0 : i32
    %scan3A_12 = arith.constant 0 : i32
    %scan3A_13 = arith.constant 62 : i32
    %scan3A_14 = arith.addi %scan3A_12, %scan3A_13 : i32
    %scan3A_15 = arith.constant 1 : i32
    scf.for %scan3A_46 = %scan3A_12 to %scan3A_14 step %scan3A_15  : i32 {
      %mul3A_47 = arith.constant 2 : i32
      %mul3A_48 = arith.muli %mul3A_47, %scan3A_46 : i32
      %add3A_49 = arith.constant 0 : i32
      %add3A_50 = arith.addi %mul3A_48, %add3A_49 : i32
      %gt3A = arith.constant 0 : i32
      %gt3A_51 = arith.cmpi sgt, %scan3A_46, %gt3A : i32
      %convert_element_type3A = arith.extui %gt3A_51 : i1 to i32
      %cond3A = arith.constant 0 : i32
      %cond3A_52 = arith.cmpi ne, %convert_element_type3A, %cond3A : i32
      scf.if %cond3A_52 {
        %dma_wait3A_135 = arith.constant 0 : i32
        %dma_wait3A_136 = tpu.memref_slice %arg6[%mul3A_2, %dma_wait3A_135] : memref<320000x128xi32, #tpu.memory_space<hbm>> -> memref<80x128xi32, #tpu.memory_space<hbm>>
        %dma_wait3A_137 = arith.constant 0 : i32
        %dma_wait3A_138 = tpu.memref_slice %arg6[%mul3A_2, %dma_wait3A_137] : memref<320000x128xi32, #tpu.memory_space<hbm>> -> memref<80x128xi32, #tpu.memory_space<hbm>>
        tpu.wait_dma2 semaphore(%arg18 : memref<!tpu.dma_semaphore, #tpu.memory_space<semaphore_mem>>) src(%arg14 : memref<80x128xi32, #tpu.memory_space<vmem>>) dst(%dma_wait3A_138 : memref<80x128xi32, #tpu.memory_space<hbm>>)
      } else {
      }
      %add3A_53 = arith.constant 1 : i32
      %add3A_54 = arith.addi %add3A_50, %add3A_53 : i32
      %mul3A_55 = arith.constant 80 : i32
      %mul3A_56 = arith.muli %add3A_54, %mul3A_55 : i32
      %mul3A_57 = arith.constant 80 : i32
      %mul3A_58 = arith.muli %add3A_54, %mul3A_57 : i32
      %dma_start3A_59 = tpu.memref_slice %arg7[%mul3A_56] : memref<10000xi32, #tpu.memory_space<vmem>> -> memref<80xi32, #tpu.memory_space<vmem>>
      %dma_start3A_60 = arith.constant 0 : i32
      %dma_start3A_61 = arith.constant 0 : i32
      %dma_start3A_62 = tpu.memref_slice %arg2[%dma_start3A_60, %dma_start3A_61] : memref<10000x128xi32, #tpu.memory_space<hbm>> -> memref<10000x128xi32, #tpu.memory_space<hbm>>
      tpu.enqueue_indirect_dma source(%dma_start3A_62 : memref<10000x128xi32, #tpu.memory_space<hbm>>) target(%arg10 : memref<80x128xi32, #tpu.memory_space<vmem>>) offsets(%dma_start3A_59 : memref<80xi32, #tpu.memory_space<vmem>>) semaphore(%arg16 : memref<!tpu.dma_semaphore, #tpu.memory_space<semaphore_mem>>)
      %dma_start3A_63 = tpu.memref_slice %arg8[%mul3A_58] : memref<10000xi32, #tpu.memory_space<vmem>> -> memref<80xi32, #tpu.memory_space<vmem>>
      %dma_start3A_64 = arith.constant 0 : i32
      %dma_start3A_65 = arith.constant 0 : i32
      %dma_start3A_66 = tpu.memref_slice %arg3[%dma_start3A_64, %dma_start3A_65] : memref<10000x128xi32, #tpu.memory_space<hbm>> -> memref<10000x128xi32, #tpu.memory_space<hbm>>
      tpu.enqueue_indirect_dma source(%dma_start3A_66 : memref<10000x128xi32, #tpu.memory_space<hbm>>) target(%arg12 : memref<80x128xi32, #tpu.memory_space<vmem>>) offsets(%dma_start3A_63 : memref<80xi32, #tpu.memory_space<vmem>>) semaphore(%arg16 : memref<!tpu.dma_semaphore, #tpu.memory_space<semaphore_mem>>)
      %dma_wait3A_67 = arith.constant 0 : i32
      %dma_wait3A_68 = tpu.memref_slice %arg7[%dma_wait3A_67] : memref<10000xi32, #tpu.memory_space<vmem>> -> memref<80xi32, #tpu.memory_space<vmem>>
      %dma_wait3A_69 = arith.constant 0 : i32
      %dma_wait3A_70 = arith.constant 0 : i32
      %dma_wait3A_71 = tpu.memref_slice %arg2[%dma_wait3A_69, %dma_wait3A_70] : memref<10000x128xi32, #tpu.memory_space<hbm>> -> memref<10000x128xi32, #tpu.memory_space<hbm>>
      tpu.wait_indirect_dma semaphore(%arg15 : memref<!tpu.dma_semaphore, #tpu.memory_space<semaphore_mem>>) src(%dma_wait3A_71 : memref<10000x128xi32, #tpu.memory_space<hbm>>) dst(%arg9 : memref<80x128xi32, #tpu.memory_space<vmem>>)
      %dma_wait3A_72 = arith.constant 0 : i32
      %dma_wait3A_73 = tpu.memref_slice %arg8[%dma_wait3A_72] : memref<10000xi32, #tpu.memory_space<vmem>> -> memref<80xi32, #tpu.memory_space<vmem>>
      %dma_wait3A_74 = arith.constant 0 : i32
      %dma_wait3A_75 = arith.constant 0 : i32
      %dma_wait3A_76 = tpu.memref_slice %arg3[%dma_wait3A_74, %dma_wait3A_75] : memref<10000x128xi32, #tpu.memory_space<hbm>> -> memref<10000x128xi32, #tpu.memory_space<hbm>>
      tpu.wait_indirect_dma semaphore(%arg15 : memref<!tpu.dma_semaphore, #tpu.memory_space<semaphore_mem>>) src(%dma_wait3A_76 : memref<10000x128xi32, #tpu.memory_space<hbm>>) dst(%arg11 : memref<80x128xi32, #tpu.memory_space<vmem>>)
      %scan3A_77 = arith.constant 0 : i32
      %scan3A_78 = arith.constant 0 : i32
      %scan3A_79 = arith.constant 80 : i32
      %scan3A_80 = arith.addi %scan3A_78, %scan3A_79 : i32
      %scan3A_81 = arith.constant 1 : i32
      scf.for %scan3A_135 = %scan3A_78 to %scan3A_80 step %scan3A_81  : i32 {
        %get3A = arith.index_cast %scan3A_135 : i32 to index
        %get3A_136 = arith.constant 0 : index
        %get3A_137 = tpu.vector_load %arg9[%get3A, %get3A_136] {strides = array<i32>} : memref<80x128xi32, #tpu.memory_space<vmem>>, vector<16xi32>,
        %bitcast3A = vector.bitcast %get3A_137 : vector<16xi32> to vector<32xbf16>
        %get3A_138 = arith.index_cast %scan3A_135 : i32 to index
        %get3A_139 = arith.constant 0 : index
        %get3A_140 = tpu.vector_load %arg11[%get3A_138, %get3A_139] {strides = array<i32>} : memref<80x128xi32, #tpu.memory_space<vmem>>, vector<16xi32>,
        %bitcast3A_141 = vector.bitcast %get3A_140 : vector<16xi32> to vector<32xbf16>
        %add3A_142 = arith.addf %bitcast3A, %bitcast3A_141 : vector<32xbf16>
        %bitcast3A_143 = vector.bitcast %add3A_142 : vector<32xbf16> to vector<16xi32>
        %swap3A = arith.index_cast %scan3A_135 : i32 to index
        %swap3A_144 = arith.constant 0 : index
        %swap3A_145 = tpu.vector_load %arg13[%swap3A, %swap3A_144] {strides = array<i32>} : memref<80x128xi32, #tpu.memory_space<vmem>>, vector<16xi32>,
        tpu.vector_store %arg13[%swap3A, %swap3A_144], %bitcast3A_143 {strides = array<i32>} : memref<80x128xi32, #tpu.memory_space<vmem>>, vector<16xi32>,
        %get3A_146 = arith.index_cast %scan3A_135 : i32 to index
        %get3A_147 = arith.constant 16 : index
        %get3A_148 = tpu.vector_load %arg9[%get3A_146, %get3A_147] {strides = array<i32>} : memref<80x128xi32, #tpu.memory_space<vmem>>, vector<16xi32>,
        %bitcast3A_149 = vector.bitcast %get3A_148 : vector<16xi32> to vector<32xbf16>
        %get3A_150 = arith.index_cast %scan3A_135 : i32 to index
        %get3A_151 = arith.constant 16 : index
        %get3A_152 = tpu.vector_load %arg11[%get3A_150, %get3A_151] {strides = array<i32>} : memref<80x128xi32, #tpu.memory_space<vmem>>, vector<16xi32>,
        %bitcast3A_153 = vector.bitcast %get3A_152 : vector<16xi32> to vector<32xbf16>
        %add3A_154 = arith.addf %bitcast3A_149, %bitcast3A_153 : vector<32xbf16>
        %bitcast3A_155 = vector.bitcast %add3A_154 : vector<32xbf16> to vector<16xi32>
        %swap3A_156 = arith.index_cast %scan3A_135 : i32 to index
        %swap3A_157 = arith.constant 16 : index
        %swap3A_158 = tpu.vector_load %arg13[%swap3A_156, %swap3A_157] {strides = array<i32>} : memref<80x128xi32, #tpu.memory_space<vmem>>, vector<16xi32>,
        tpu.vector_store %arg13[%swap3A_156, %swap3A_157], %bitcast3A_155 {strides = array<i32>} : memref<80x128xi32, #tpu.memory_space<vmem>>, vector<16xi32>,
        %get3A_159 = arith.index_cast %scan3A_135 : i32 to index
        %get3A_160 = arith.constant 32 : index
        %get3A_161 = tpu.vector_load %arg9[%get3A_159, %get3A_160] {strides = array<i32>} : memref<80x128xi32, #tpu.memory_space<vmem>>, vector<16xi32>,
        %bitcast3A_162 = vector.bitcast %get3A_161 : vector<16xi32> to vector<32xbf16>
        %get3A_163 = arith.index_cast %scan3A_135 : i32 to index
        %get3A_164 = arith.constant 32 : index
        %get3A_165 = tpu.vector_load %arg11[%get3A_163, %get3A_164] {strides = array<i32>} : memref<80x128xi32, #tpu.memory_space<vmem>>, vector<16xi32>,
        %bitcast3A_166 = vector.bitcast %get3A_165 : vector<16xi32> to vector<32xbf16>
        %add3A_167 = arith.addf %bitcast3A_162, %bitcast3A_166 : vector<32xbf16>
        %bitcast3A_168 = vector.bitcast %add3A_167 : vector<32xbf16> to vector<16xi32>
        %swap3A_169 = arith.index_cast %scan3A_135 : i32 to index
        %swap3A_170 = arith.constant 32 : index
        %swap3A_171 = tpu.vector_load %arg13[%swap3A_169, %swap3A_170] {strides = array<i32>} : memref<80x128xi32, #tpu.memory_space<vmem>>, vector<16xi32>,
        tpu.vector_store %arg13[%swap3A_169, %swap3A_170], %bitcast3A_168 {strides = array<i32>} : memref<80x128xi32, #tpu.memory_space<vmem>>, vector<16xi32>,
        %get3A_172 = arith.index_cast %scan3A_135 : i32 to index
        %get3A_173 = arith.constant 48 : index
        %get3A_174 = tpu.vector_load %arg9[%get3A_172, %get3A_173] {strides = array<i32>} : memref<80x128xi32, #tpu.memory_space<vmem>>, vector<16xi32>,
        %bitcast3A_175 = vector.bitcast %get3A_174 : vector<16xi32> to vector<32xbf16>
        %get3A_176 = arith.index_cast %scan3A_135 : i32 to index
        %get3A_177 = arith.constant 48 : index
        %get3A_178 = tpu.vector_load %arg11[%get3A_176, %get3A_177] {strides = array<i32>} : memref<80x128xi32, #tpu.memory_space<vmem>>, vector<16xi32>,
        %bitcast3A_179 = vector.bitcast %get3A_178 : vector<16xi32> to vector<32xbf16>
        %add3A_180 = arith.addf %bitcast3A_175, %bitcast3A_179 : vector<32xbf16>
        %bitcast3A_181 = vector.bitcast %add3A_180 : vector<32xbf16> to vector<16xi32>
        %swap3A_182 = arith.index_cast %scan3A_135 : i32 to index
        %swap3A_183 = arith.constant 48 : index
        %swap3A_184 = tpu.vector_load %arg13[%swap3A_182, %swap3A_183] {strides = array<i32>} : memref<80x128xi32, #tpu.memory_space<vmem>>, vector<16xi32>,
        tpu.vector_store %arg13[%swap3A_182, %swap3A_183], %bitcast3A_181 {strides = array<i32>} : memref<80x128xi32, #tpu.memory_space<vmem>>, vector<16xi32>,
        %get3A_185 = arith.index_cast %scan3A_135 : i32 to index
        %get3A_186 = arith.constant 64 : index
        %get3A_187 = tpu.vector_load %arg9[%get3A_185, %get3A_186] {strides = array<i32>} : memref<80x128xi32, #tpu.memory_space<vmem>>, vector<16xi32>,
        %bitcast3A_188 = vector.bitcast %get3A_187 : vector<16xi32> to vector<32xbf16>
        %get3A_189 = arith.index_cast %scan3A_135 : i32 to index
        %get3A_190 = arith.constant 64 : index
        %get3A_191 = tpu.vector_load %arg11[%get3A_189, %get3A_190] {strides = array<i32>} : memref<80x128xi32, #tpu.memory_space<vmem>>, vector<16xi32>,
        %bitcast3A_192 = vector.bitcast %get3A_191 : vector<16xi32> to vector<32xbf16>
        %add3A_193 = arith.addf %bitcast3A_188, %bitcast3A_192 : vector<32xbf16>
        %bitcast3A_194 = vector.bitcast %add3A_193 : vector<32xbf16> to vector<16xi32>
        %swap3A_195 = arith.index_cast %scan3A_135 : i32 to index
        %swap3A_196 = arith.constant 64 : index
        %swap3A_197 = tpu.vector_load %arg13[%swap3A_195, %swap3A_196] {strides = array<i32>} : memref<80x128xi32, #tpu.memory_space<vmem>>, vector<16xi32>,
        tpu.vector_store %arg13[%swap3A_195, %swap3A_196], %bitcast3A_194 {strides = array<i32>} : memref<80x128xi32, #tpu.memory_space<vmem>>, vector<16xi32>,
        %get3A_198 = arith.index_cast %scan3A_135 : i32 to index
        %get3A_199 = arith.constant 80 : index
        %get3A_200 = tpu.vector_load %arg9[%get3A_198, %get3A_199] {strides = array<i32>} : memref<80x128xi32, #tpu.memory_space<vmem>>, vector<16xi32>,
        %bitcast3A_201 = vector.bitcast %get3A_200 : vector<16xi32> to vector<32xbf16>
        %get3A_202 = arith.index_cast %scan3A_135 : i32 to index
        %get3A_203 = arith.constant 80 : index
        %get3A_204 = tpu.vector_load %arg11[%get3A_202, %get3A_203] {strides = array<i32>} : memref<80x128xi32, #tpu.memory_space<vmem>>, vector<16xi32>,
        %bitcast3A_205 = vector.bitcast %get3A_204 : vector<16xi32> to vector<32xbf16>
        %add3A_206 = arith.addf %bitcast3A_201, %bitcast3A_205 : vector<32xbf16>
        %bitcast3A_207 = vector.bitcast %add3A_206 : vector<32xbf16> to vector<16xi32>
        %swap3A_208 = arith.index_cast %scan3A_135 : i32 to index
        %swap3A_209 = arith.constant 80 : index
        %swap3A_210 = tpu.vector_load %arg13[%swap3A_208, %swap3A_209] {strides = array<i32>} : memref<80x128xi32, #tpu.memory_space<vmem>>, vector<16xi32>,
        tpu.vector_store %arg13[%swap3A_208, %swap3A_209], %bitcast3A_207 {strides = array<i32>} : memref<80x128xi32, #tpu.memory_space<vmem>>, vector<16xi32>,
        %get3A_211 = arith.index_cast %scan3A_135 : i32 to index
        %get3A_212 = arith.constant 96 : index
        %get3A_213 = tpu.vector_load %arg9[%get3A_211, %get3A_212] {strides = array<i32>} : memref<80x128xi32, #tpu.memory_space<vmem>>, vector<16xi32>,
        %bitcast3A_214 = vector.bitcast %get3A_213 : vector<16xi32> to vector<32xbf16>
        %get3A_215 = arith.index_cast %scan3A_135 : i32 to index
        %get3A_216 = arith.constant 96 : index
        %get3A_217 = tpu.vector_load %arg11[%get3A_215, %get3A_216] {strides = array<i32>} : memref<80x128xi32, #tpu.memory_space<vmem>>, vector<16xi32>,
        %bitcast3A_218 = vector.bitcast %get3A_217 : vector<16xi32> to vector<32xbf16>
        %add3A_219 = arith.addf %bitcast3A_214, %bitcast3A_218 : vector<32xbf16>
        %bitcast3A_220 = vector.bitcast %add3A_219 : vector<32xbf16> to vector<16xi32>
        %swap3A_221 = arith.index_cast %scan3A_135 : i32 to index
        %swap3A_222 = arith.constant 96 : index
        %swap3A_223 = tpu.vector_load %arg13[%swap3A_221, %swap3A_222] {strides = array<i32>} : memref<80x128xi32, #tpu.memory_space<vmem>>, vector<16xi32>,
        tpu.vector_store %arg13[%swap3A_221, %swap3A_222], %bitcast3A_220 {strides = array<i32>} : memref<80x128xi32, #tpu.memory_space<vmem>>, vector<16xi32>,
        %get3A_224 = arith.index_cast %scan3A_135 : i32 to index
        %get3A_225 = arith.constant 112 : index
        %get3A_226 = tpu.vector_load %arg9[%get3A_224, %get3A_225] {strides = array<i32>} : memref<80x128xi32, #tpu.memory_space<vmem>>, vector<16xi32>,
        %bitcast3A_227 = vector.bitcast %get3A_226 : vector<16xi32> to vector<32xbf16>
        %get3A_228 = arith.index_cast %scan3A_135 : i32 to index
        %get3A_229 = arith.constant 112 : index
        %get3A_230 = tpu.vector_load %arg11[%get3A_228, %get3A_229] {strides = array<i32>} : memref<80x128xi32, #tpu.memory_space<vmem>>, vector<16xi32>,
        %bitcast3A_231 = vector.bitcast %get3A_230 : vector<16xi32> to vector<32xbf16>
        %add3A_232 = arith.addf %bitcast3A_227, %bitcast3A_231 : vector<32xbf16>
        %bitcast3A_233 = vector.bitcast %add3A_232 : vector<32xbf16> to vector<16xi32>
        %swap3A_234 = arith.index_cast %scan3A_135 : i32 to index
        %swap3A_235 = arith.constant 112 : index
        %swap3A_236 = tpu.vector_load %arg13[%swap3A_234, %swap3A_235] {strides = array<i32>} : memref<80x128xi32, #tpu.memory_space<vmem>>, vector<16xi32>,
        tpu.vector_store %arg13[%swap3A_234, %swap3A_235], %bitcast3A_233 {strides = array<i32>} : memref<80x128xi32, #tpu.memory_space<vmem>>, vector<16xi32>,
      }
      %scan3A_82 = arith.constant 80 : i32
      %mul3A_83 = arith.constant 80 : i32
      %mul3A_84 = arith.muli %add3A_50, %mul3A_83 : i32
      %add3A_85 = arith.addi %mul3A_2, %mul3A_84 : i32
      %dma_start3A_86 = arith.constant 0 : i32
      %dma_start3A_87 = tpu.memref_slice %arg6[%add3A_85, %dma_start3A_86] : memref<320000x128xi32, #tpu.memory_space<hbm>> -> memref<80x128xi32, #tpu.memory_space<hbm>>
      %dma_start3A_88 = arith.constant 0 : i32
      %dma_start3A_89 = tpu.memref_slice %arg6[%add3A_85, %dma_start3A_88] : memref<320000x128xi32, #tpu.memory_space<hbm>> -> memref<80x128xi32, #tpu.memory_space<hbm>>
      tpu.enqueue_dma source(%arg13 : memref<80x128xi32, #tpu.memory_space<vmem>>) target(%dma_start3A_89 : memref<80x128xi32, #tpu.memory_space<hbm>>) target_semaphore(%arg17 : memref<!tpu.dma_semaphore, #tpu.memory_space<semaphore_mem>>)
      %mul3A_90 = arith.constant 2 : i32
      %mul3A_91 = arith.muli %mul3A_90, %scan3A_46 : i32
      %add3A_92 = arith.constant 1 : i32
      %add3A_93 = arith.addi %mul3A_91, %add3A_92 : i32
      %dma_wait3A_94 = arith.constant 0 : i32
      %dma_wait3A_95 = tpu.memref_slice %arg6[%mul3A_2, %dma_wait3A_94] : memref<320000x128xi32, #tpu.memory_space<hbm>> -> memref<80x128xi32, #tpu.memory_space<hbm>>
      %dma_wait3A_96 = arith.constant 0 : i32
      %dma_wait3A_97 = tpu.memref_slice %arg6[%mul3A_2, %dma_wait3A_96] : memref<320000x128xi32, #tpu.memory_space<hbm>> -> memref<80x128xi32, #tpu.memory_space<hbm>>
      tpu.wait_dma2 semaphore(%arg17 : memref<!tpu.dma_semaphore, #tpu.memory_space<semaphore_mem>>) src(%arg13 : memref<80x128xi32, #tpu.memory_space<vmem>>) dst(%dma_wait3A_97 : memref<80x128xi32, #tpu.memory_space<hbm>>)
      %add3A_98 = arith.constant 1 : i32
      %add3A_99 = arith.addi %add3A_93, %add3A_98 : i32
      %mul3A_100 = arith.constant 80 : i32
      %mul3A_101 = arith.muli %add3A_99, %mul3A_100 : i32
      %mul3A_102 = arith.constant 80 : i32
      %mul3A_103 = arith.muli %add3A_99, %mul3A_102 : i32
      %dma_start3A_104 = tpu.memref_slice %arg7[%mul3A_101] : memref<10000xi32, #tpu.memory_space<vmem>> -> memref<80xi32, #tpu.memory_space<vmem>>
      %dma_start3A_105 = arith.constant 0 : i32
      %dma_start3A_106 = arith.constant 0 : i32
      %dma_start3A_107 = tpu.memref_slice %arg2[%dma_start3A_105, %dma_start3A_106] : memref<10000x128xi32, #tpu.memory_space<hbm>> -> memref<10000x128xi32, #tpu.memory_space<hbm>>
      tpu.enqueue_indirect_dma source(%dma_start3A_107 : memref<10000x128xi32, #tpu.memory_space<hbm>>) target(%arg9 : memref<80x128xi32, #tpu.memory_space<vmem>>) offsets(%dma_start3A_104 : memref<80xi32, #tpu.memory_space<vmem>>) semaphore(%arg15 : memref<!tpu.dma_semaphore, #tpu.memory_space<semaphore_mem>>)
      %dma_start3A_108 = tpu.memref_slice %arg8[%mul3A_103] : memref<10000xi32, #tpu.memory_space<vmem>> -> memref<80xi32, #tpu.memory_space<vmem>>
      %dma_start3A_109 = arith.constant 0 : i32
      %dma_start3A_110 = arith.constant 0 : i32
      %dma_start3A_111 = tpu.memref_slice %arg3[%dma_start3A_109, %dma_start3A_110] : memref<10000x128xi32, #tpu.memory_space<hbm>> -> memref<10000x128xi32, #tpu.memory_space<hbm>>
      tpu.enqueue_indirect_dma source(%dma_start3A_111 : memref<10000x128xi32, #tpu.memory_space<hbm>>) target(%arg11 : memref<80x128xi32, #tpu.memory_space<vmem>>) offsets(%dma_start3A_108 : memref<80xi32, #tpu.memory_space<vmem>>) semaphore(%arg15 : memref<!tpu.dma_semaphore, #tpu.memory_space<semaphore_mem>>)
      %dma_wait3A_112 = arith.constant 0 : i32
      %dma_wait3A_113 = tpu.memref_slice %arg7[%dma_wait3A_112] : memref<10000xi32, #tpu.memory_space<vmem>> -> memref<80xi32, #tpu.memory_space<vmem>>
      %dma_wait3A_114 = arith.constant 0 : i32
      %dma_wait3A_115 = arith.constant 0 : i32
      %dma_wait3A_116 = tpu.memref_slice %arg2[%dma_wait3A_114, %dma_wait3A_115] : memref<10000x128xi32, #tpu.memory_space<hbm>> -> memref<10000x128xi32, #tpu.memory_space<hbm>>
      tpu.wait_indirect_dma semaphore(%arg16 : memref<!tpu.dma_semaphore, #tpu.memory_space<semaphore_mem>>) src(%dma_wait3A_116 : memref<10000x128xi32, #tpu.memory_space<hbm>>) dst(%arg10 : memref<80x128xi32, #tpu.memory_space<vmem>>)
      %dma_wait3A_117 = arith.constant 0 : i32
      %dma_wait3A_118 = tpu.memref_slice %arg8[%dma_wait3A_117] : memref<10000xi32, #tpu.memory_space<vmem>> -> memref<80xi32, #tpu.memory_space<vmem>>
      %dma_wait3A_119 = arith.constant 0 : i32
      %dma_wait3A_120 = arith.constant 0 : i32
      %dma_wait3A_121 = tpu.memref_slice %arg3[%dma_wait3A_119, %dma_wait3A_120] : memref<10000x128xi32, #tpu.memory_space<hbm>> -> memref<10000x128xi32, #tpu.memory_space<hbm>>
      tpu.wait_indirect_dma semaphore(%arg16 : memref<!tpu.dma_semaphore, #tpu.memory_space<semaphore_mem>>) src(%dma_wait3A_121 : memref<10000x128xi32, #tpu.memory_space<hbm>>) dst(%arg12 : memref<80x128xi32, #tpu.memory_space<vmem>>)
      %scan3A_122 = arith.constant 0 : i32
      %scan3A_123 = arith.constant 0 : i32
      %scan3A_124 = arith.constant 80 : i32
      %scan3A_125 = arith.addi %scan3A_123, %scan3A_124 : i32
      %scan3A_126 = arith.constant 1 : i32
      scf.for %scan3A_135 = %scan3A_123 to %scan3A_125 step %scan3A_126  : i32 {
        %get3A = arith.index_cast %scan3A_135 : i32 to index
        %get3A_136 = arith.constant 0 : index
        %get3A_137 = tpu.vector_load %arg10[%get3A, %get3A_136] {strides = array<i32>} : memref<80x128xi32, #tpu.memory_space<vmem>>, vector<16xi32>,
        %bitcast3A = vector.bitcast %get3A_137 : vector<16xi32> to vector<32xbf16>
        %get3A_138 = arith.index_cast %scan3A_135 : i32 to index
        %get3A_139 = arith.constant 0 : index
        %get3A_140 = tpu.vector_load %arg12[%get3A_138, %get3A_139] {strides = array<i32>} : memref<80x128xi32, #tpu.memory_space<vmem>>, vector<16xi32>,
        %bitcast3A_141 = vector.bitcast %get3A_140 : vector<16xi32> to vector<32xbf16>
        %add3A_142 = arith.addf %bitcast3A, %bitcast3A_141 : vector<32xbf16>
        %bitcast3A_143 = vector.bitcast %add3A_142 : vector<32xbf16> to vector<16xi32>
        %swap3A = arith.index_cast %scan3A_135 : i32 to index
        %swap3A_144 = arith.constant 0 : index
        %swap3A_145 = tpu.vector_load %arg14[%swap3A, %swap3A_144] {strides = array<i32>} : memref<80x128xi32, #tpu.memory_space<vmem>>, vector<16xi32>,
        tpu.vector_store %arg14[%swap3A, %swap3A_144], %bitcast3A_143 {strides = array<i32>} : memref<80x128xi32, #tpu.memory_space<vmem>>, vector<16xi32>,
        %get3A_146 = arith.index_cast %scan3A_135 : i32 to index
        %get3A_147 = arith.constant 16 : index
        %get3A_148 = tpu.vector_load %arg10[%get3A_146, %get3A_147] {strides = array<i32>} : memref<80x128xi32, #tpu.memory_space<vmem>>, vector<16xi32>,
        %bitcast3A_149 = vector.bitcast %get3A_148 : vector<16xi32> to vector<32xbf16>
        %get3A_150 = arith.index_cast %scan3A_135 : i32 to index
        %get3A_151 = arith.constant 16 : index
        %get3A_152 = tpu.vector_load %arg12[%get3A_150, %get3A_151] {strides = array<i32>} : memref<80x128xi32, #tpu.memory_space<vmem>>, vector<16xi32>,
        %bitcast3A_153 = vector.bitcast %get3A_152 : vector<16xi32> to vector<32xbf16>
        %add3A_154 = arith.addf %bitcast3A_149, %bitcast3A_153 : vector<32xbf16>
        %bitcast3A_155 = vector.bitcast %add3A_154 : vector<32xbf16> to vector<16xi32>
        %swap3A_156 = arith.index_cast %scan3A_135 : i32 to index
        %swap3A_157 = arith.constant 16 : index
        %swap3A_158 = tpu.vector_load %arg14[%swap3A_156, %swap3A_157] {strides = array<i32>} : memref<80x128xi32, #tpu.memory_space<vmem>>, vector<16xi32>,
        tpu.vector_store %arg14[%swap3A_156, %swap3A_157], %bitcast3A_155 {strides = array<i32>} : memref<80x128xi32, #tpu.memory_space<vmem>>, vector<16xi32>,
        %get3A_159 = arith.index_cast %scan3A_135 : i32 to index
        %get3A_160 = arith.constant 32 : index
        %get3A_161 = tpu.vector_load %arg10[%get3A_159, %get3A_160] {strides = array<i32>} : memref<80x128xi32, #tpu.memory_space<vmem>>, vector<16xi32>,
        %bitcast3A_162 = vector.bitcast %get3A_161 : vector<16xi32> to vector<32xbf16>
        %get3A_163 = arith.index_cast %scan3A_135 : i32 to index
        %get3A_164 = arith.constant 32 : index
        %get3A_165 = tpu.vector_load %arg12[%get3A_163, %get3A_164] {strides = array<i32>} : memref<80x128xi32, #tpu.memory_space<vmem>>, vector<16xi32>,
        %bitcast3A_166 = vector.bitcast %get3A_165 : vector<16xi32> to vector<32xbf16>
        %add3A_167 = arith.addf %bitcast3A_162, %bitcast3A_166 : vector<32xbf16>
        %bitcast3A_168 = vector.bitcast %add3A_167 : vector<32xbf16> to vector<16xi32>
        %swap3A_169 = arith.index_cast %scan3A_135 : i32 to index
        %swap3A_170 = arith.constant 32 : index
        %swap3A_171 = tpu.vector_load %arg14[%swap3A_169, %swap3A_170] {strides = array<i32>} : memref<80x128xi32, #tpu.memory_space<vmem>>, vector<16xi32>,
        tpu.vector_store %arg14[%swap3A_169, %swap3A_170], %bitcast3A_168 {strides = array<i32>} : memref<80x128xi32, #tpu.memory_space<vmem>>, vector<16xi32>,
        %get3A_172 = arith.index_cast %scan3A_135 : i32 to index
        %get3A_173 = arith.constant 48 : index
        %get3A_174 = tpu.vector_load %arg10[%get3A_172, %get3A_173] {strides = array<i32>} : memref<80x128xi32, #tpu.memory_space<vmem>>, vector<16xi32>,
        %bitcast3A_175 = vector.bitcast %get3A_174 : vector<16xi32> to vector<32xbf16>
        %get3A_176 = arith.index_cast %scan3A_135 : i32 to index
        %get3A_177 = arith.constant 48 : index
        %get3A_178 = tpu.vector_load %arg12[%get3A_176, %get3A_177] {strides = array<i32>} : memref<80x128xi32, #tpu.memory_space<vmem>>, vector<16xi32>,
        %bitcast3A_179 = vector.bitcast %get3A_178 : vector<16xi32> to vector<32xbf16>
        %add3A_180 = arith.addf %bitcast3A_175, %bitcast3A_179 : vector<32xbf16>
        %bitcast3A_181 = vector.bitcast %add3A_180 : vector<32xbf16> to vector<16xi32>
        %swap3A_182 = arith.index_cast %scan3A_135 : i32 to index
        %swap3A_183 = arith.constant 48 : index
        %swap3A_184 = tpu.vector_load %arg14[%swap3A_182, %swap3A_183] {strides = array<i32>} : memref<80x128xi32, #tpu.memory_space<vmem>>, vector<16xi32>,
        tpu.vector_store %arg14[%swap3A_182, %swap3A_183], %bitcast3A_181 {strides = array<i32>} : memref<80x128xi32, #tpu.memory_space<vmem>>, vector<16xi32>,
        %get3A_185 = arith.index_cast %scan3A_135 : i32 to index
        %get3A_186 = arith.constant 64 : index
        %get3A_187 = tpu.vector_load %arg10[%get3A_185, %get3A_186] {strides = array<i32>} : memref<80x128xi32, #tpu.memory_space<vmem>>, vector<16xi32>,
        %bitcast3A_188 = vector.bitcast %get3A_187 : vector<16xi32> to vector<32xbf16>
        %get3A_189 = arith.index_cast %scan3A_135 : i32 to index
        %get3A_190 = arith.constant 64 : index
        %get3A_191 = tpu.vector_load %arg12[%get3A_189, %get3A_190] {strides = array<i32>} : memref<80x128xi32, #tpu.memory_space<vmem>>, vector<16xi32>,
        %bitcast3A_192 = vector.bitcast %get3A_191 : vector<16xi32> to vector<32xbf16>
        %add3A_193 = arith.addf %bitcast3A_188, %bitcast3A_192 : vector<32xbf16>
        %bitcast3A_194 = vector.bitcast %add3A_193 : vector<32xbf16> to vector<16xi32>
        %swap3A_195 = arith.index_cast %scan3A_135 : i32 to index
        %swap3A_196 = arith.constant 64 : index
        %swap3A_197 = tpu.vector_load %arg14[%swap3A_195, %swap3A_196] {strides = array<i32>} : memref<80x128xi32, #tpu.memory_space<vmem>>, vector<16xi32>,
        tpu.vector_store %arg14[%swap3A_195, %swap3A_196], %bitcast3A_194 {strides = array<i32>} : memref<80x128xi32, #tpu.memory_space<vmem>>, vector<16xi32>,
        %get3A_198 = arith.index_cast %scan3A_135 : i32 to index
        %get3A_199 = arith.constant 80 : index
        %get3A_200 = tpu.vector_load %arg10[%get3A_198, %get3A_199] {strides = array<i32>} : memref<80x128xi32, #tpu.memory_space<vmem>>, vector<16xi32>,
        %bitcast3A_201 = vector.bitcast %get3A_200 : vector<16xi32> to vector<32xbf16>
        %get3A_202 = arith.index_cast %scan3A_135 : i32 to index
        %get3A_203 = arith.constant 80 : index
        %get3A_204 = tpu.vector_load %arg12[%get3A_202, %get3A_203] {strides = array<i32>} : memref<80x128xi32, #tpu.memory_space<vmem>>, vector<16xi32>,
        %bitcast3A_205 = vector.bitcast %get3A_204 : vector<16xi32> to vector<32xbf16>
        %add3A_206 = arith.addf %bitcast3A_201, %bitcast3A_205 : vector<32xbf16>
        %bitcast3A_207 = vector.bitcast %add3A_206 : vector<32xbf16> to vector<16xi32>
        %swap3A_208 = arith.index_cast %scan3A_135 : i32 to index
        %swap3A_209 = arith.constant 80 : index
        %swap3A_210 = tpu.vector_load %arg14[%swap3A_208, %swap3A_209] {strides = array<i32>} : memref<80x128xi32, #tpu.memory_space<vmem>>, vector<16xi32>,
        tpu.vector_store %arg14[%swap3A_208, %swap3A_209], %bitcast3A_207 {strides = array<i32>} : memref<80x128xi32, #tpu.memory_space<vmem>>, vector<16xi32>,
        %get3A_211 = arith.index_cast %scan3A_135 : i32 to index
        %get3A_212 = arith.constant 96 : index
        %get3A_213 = tpu.vector_load %arg10[%get3A_211, %get3A_212] {strides = array<i32>} : memref<80x128xi32, #tpu.memory_space<vmem>>, vector<16xi32>,
        %bitcast3A_214 = vector.bitcast %get3A_213 : vector<16xi32> to vector<32xbf16>
        %get3A_215 = arith.index_cast %scan3A_135 : i32 to index
        %get3A_216 = arith.constant 96 : index
        %get3A_217 = tpu.vector_load %arg12[%get3A_215, %get3A_216] {strides = array<i32>} : memref<80x128xi32, #tpu.memory_space<vmem>>, vector<16xi32>,
        %bitcast3A_218 = vector.bitcast %get3A_217 : vector<16xi32> to vector<32xbf16>
        %add3A_219 = arith.addf %bitcast3A_214, %bitcast3A_218 : vector<32xbf16>
        %bitcast3A_220 = vector.bitcast %add3A_219 : vector<32xbf16> to vector<16xi32>
        %swap3A_221 = arith.index_cast %scan3A_135 : i32 to index
        %swap3A_222 = arith.constant 96 : index
        %swap3A_223 = tpu.vector_load %arg14[%swap3A_221, %swap3A_222] {strides = array<i32>} : memref<80x128xi32, #tpu.memory_space<vmem>>, vector<16xi32>,
        tpu.vector_store %arg14[%swap3A_221, %swap3A_222], %bitcast3A_220 {strides = array<i32>} : memref<80x128xi32, #tpu.memory_space<vmem>>, vector<16xi32>,
        %get3A_224 = arith.index_cast %scan3A_135 : i32 to index
        %get3A_225 = arith.constant 112 : index
        %get3A_226 = tpu.vector_load %arg10[%get3A_224, %get3A_225] {strides = array<i32>} : memref<80x128xi32, #tpu.memory_space<vmem>>, vector<16xi32>,
        %bitcast3A_227 = vector.bitcast %get3A_226 : vector<16xi32> to vector<32xbf16>
        %get3A_228 = arith.index_cast %scan3A_135 : i32 to index
        %get3A_229 = arith.constant 112 : index
        %get3A_230 = tpu.vector_load %arg12[%get3A_228, %get3A_229] {strides = array<i32>} : memref<80x128xi32, #tpu.memory_space<vmem>>, vector<16xi32>,
        %bitcast3A_231 = vector.bitcast %get3A_230 : vector<16xi32> to vector<32xbf16>
        %add3A_232 = arith.addf %bitcast3A_227, %bitcast3A_231 : vector<32xbf16>
        %bitcast3A_233 = vector.bitcast %add3A_232 : vector<32xbf16> to vector<16xi32>
        %swap3A_234 = arith.index_cast %scan3A_135 : i32 to index
        %swap3A_235 = arith.constant 112 : index
        %swap3A_236 = tpu.vector_load %arg14[%swap3A_234, %swap3A_235] {strides = array<i32>} : memref<80x128xi32, #tpu.memory_space<vmem>>, vector<16xi32>,
        tpu.vector_store %arg14[%swap3A_234, %swap3A_235], %bitcast3A_233 {strides = array<i32>} : memref<80x128xi32, #tpu.memory_space<vmem>>, vector<16xi32>,
      }
      %scan3A_127 = arith.constant 80 : i32
      %mul3A_128 = arith.constant 80 : i32
      %mul3A_129 = arith.muli %add3A_93, %mul3A_128 : i32
      %add3A_130 = arith.addi %mul3A_2, %mul3A_129 : i32
      %dma_start3A_131 = arith.constant 0 : i32
      %dma_start3A_132 = tpu.memref_slice %arg6[%add3A_130, %dma_start3A_131] : memref<320000x128xi32, #tpu.memory_space<hbm>> -> memref<80x128xi32, #tpu.memory_space<hbm>>
      %dma_start3A_133 = arith.constant 0 : i32
      %dma_start3A_134 = tpu.memref_slice %arg6[%add3A_130, %dma_start3A_133] : memref<320000x128xi32, #tpu.memory_space<hbm>> -> memref<80x128xi32, #tpu.memory_space<hbm>>
      tpu.enqueue_dma source(%arg14 : memref<80x128xi32, #tpu.memory_space<vmem>>) target(%dma_start3A_134 : memref<80x128xi32, #tpu.memory_space<hbm>>) target_semaphore(%arg18 : memref<!tpu.dma_semaphore, #tpu.memory_space<semaphore_mem>>)
    }
    %scan3A_16 = arith.constant 62 : i32
    %dma_wait3A = arith.constant 0 : i32
    %dma_wait3A_17 = tpu.memref_slice %arg7[%dma_wait3A] : memref<10000xi32, #tpu.memory_space<vmem>> -> memref<80xi32, #tpu.memory_space<vmem>>
    %dma_wait3A_18 = arith.constant 0 : i32
    %dma_wait3A_19 = arith.constant 0 : i32
    %dma_wait3A_20 = tpu.memref_slice %arg2[%dma_wait3A_18, %dma_wait3A_19] : memref<10000x128xi32, #tpu.memory_space<hbm>> -> memref<10000x128xi32, #tpu.memory_space<hbm>>
    tpu.wait_indirect_dma semaphore(%arg15 : memref<!tpu.dma_semaphore, #tpu.memory_space<semaphore_mem>>) src(%dma_wait3A_20 : memref<10000x128xi32, #tpu.memory_space<hbm>>) dst(%arg9 : memref<80x128xi32, #tpu.memory_space<vmem>>)
    %dma_wait3A_21 = arith.constant 0 : i32
    %dma_wait3A_22 = tpu.memref_slice %arg8[%dma_wait3A_21] : memref<10000xi32, #tpu.memory_space<vmem>> -> memref<80xi32, #tpu.memory_space<vmem>>
    %dma_wait3A_23 = arith.constant 0 : i32
    %dma_wait3A_24 = arith.constant 0 : i32
    %dma_wait3A_25 = tpu.memref_slice %arg3[%dma_wait3A_23, %dma_wait3A_24] : memref<10000x128xi32, #tpu.memory_space<hbm>> -> memref<10000x128xi32, #tpu.memory_space<hbm>>
    tpu.wait_indirect_dma semaphore(%arg15 : memref<!tpu.dma_semaphore, #tpu.memory_space<semaphore_mem>>) src(%dma_wait3A_25 : memref<10000x128xi32, #tpu.memory_space<hbm>>) dst(%arg11 : memref<80x128xi32, #tpu.memory_space<vmem>>)
    %scan3A_26 = arith.constant 0 : i32
    %scan3A_27 = arith.constant 0 : i32
    %scan3A_28 = arith.constant 80 : i32
    %scan3A_29 = arith.addi %scan3A_27, %scan3A_28 : i32
    %scan3A_30 = arith.constant 1 : i32
    scf.for %scan3A_46 = %scan3A_27 to %scan3A_29 step %scan3A_30  : i32 {
      %get3A = arith.index_cast %scan3A_46 : i32 to index
      %get3A_47 = arith.constant 0 : index
      %get3A_48 = tpu.vector_load %arg9[%get3A, %get3A_47] {strides = array<i32>} : memref<80x128xi32, #tpu.memory_space<vmem>>, vector<16xi32>,
      %bitcast3A = vector.bitcast %get3A_48 : vector<16xi32> to vector<32xbf16>
      %get3A_49 = arith.index_cast %scan3A_46 : i32 to index
      %get3A_50 = arith.constant 0 : index
      %get3A_51 = tpu.vector_load %arg11[%get3A_49, %get3A_50] {strides = array<i32>} : memref<80x128xi32, #tpu.memory_space<vmem>>, vector<16xi32>,
      %bitcast3A_52 = vector.bitcast %get3A_51 : vector<16xi32> to vector<32xbf16>
      %add3A_53 = arith.addf %bitcast3A, %bitcast3A_52 : vector<32xbf16>
      %bitcast3A_54 = vector.bitcast %add3A_53 : vector<32xbf16> to vector<16xi32>
      %swap3A = arith.index_cast %scan3A_46 : i32 to index
      %swap3A_55 = arith.constant 0 : index
      %swap3A_56 = tpu.vector_load %arg13[%swap3A, %swap3A_55] {strides = array<i32>} : memref<80x128xi32, #tpu.memory_space<vmem>>, vector<16xi32>,
      tpu.vector_store %arg13[%swap3A, %swap3A_55], %bitcast3A_54 {strides = array<i32>} : memref<80x128xi32, #tpu.memory_space<vmem>>, vector<16xi32>,
      %get3A_57 = arith.index_cast %scan3A_46 : i32 to index
      %get3A_58 = arith.constant 16 : index
      %get3A_59 = tpu.vector_load %arg9[%get3A_57, %get3A_58] {strides = array<i32>} : memref<80x128xi32, #tpu.memory_space<vmem>>, vector<16xi32>,
      %bitcast3A_60 = vector.bitcast %get3A_59 : vector<16xi32> to vector<32xbf16>
      %get3A_61 = arith.index_cast %scan3A_46 : i32 to index
      %get3A_62 = arith.constant 16 : index
      %get3A_63 = tpu.vector_load %arg11[%get3A_61, %get3A_62] {strides = array<i32>} : memref<80x128xi32, #tpu.memory_space<vmem>>, vector<16xi32>,
      %bitcast3A_64 = vector.bitcast %get3A_63 : vector<16xi32> to vector<32xbf16>
      %add3A_65 = arith.addf %bitcast3A_60, %bitcast3A_64 : vector<32xbf16>
      %bitcast3A_66 = vector.bitcast %add3A_65 : vector<32xbf16> to vector<16xi32>
      %swap3A_67 = arith.index_cast %scan3A_46 : i32 to index
      %swap3A_68 = arith.constant 16 : index
      %swap3A_69 = tpu.vector_load %arg13[%swap3A_67, %swap3A_68] {strides = array<i32>} : memref<80x128xi32, #tpu.memory_space<vmem>>, vector<16xi32>,
      tpu.vector_store %arg13[%swap3A_67, %swap3A_68], %bitcast3A_66 {strides = array<i32>} : memref<80x128xi32, #tpu.memory_space<vmem>>, vector<16xi32>,
      %get3A_70 = arith.index_cast %scan3A_46 : i32 to index
      %get3A_71 = arith.constant 32 : index
      %get3A_72 = tpu.vector_load %arg9[%get3A_70, %get3A_71] {strides = array<i32>} : memref<80x128xi32, #tpu.memory_space<vmem>>, vector<16xi32>,
      %bitcast3A_73 = vector.bitcast %get3A_72 : vector<16xi32> to vector<32xbf16>
      %get3A_74 = arith.index_cast %scan3A_46 : i32 to index
      %get3A_75 = arith.constant 32 : index
      %get3A_76 = tpu.vector_load %arg11[%get3A_74, %get3A_75] {strides = array<i32>} : memref<80x128xi32, #tpu.memory_space<vmem>>, vector<16xi32>,
      %bitcast3A_77 = vector.bitcast %get3A_76 : vector<16xi32> to vector<32xbf16>
      %add3A_78 = arith.addf %bitcast3A_73, %bitcast3A_77 : vector<32xbf16>
      %bitcast3A_79 = vector.bitcast %add3A_78 : vector<32xbf16> to vector<16xi32>
      %swap3A_80 = arith.index_cast %scan3A_46 : i32 to index
      %swap3A_81 = arith.constant 32 : index
      %swap3A_82 = tpu.vector_load %arg13[%swap3A_80, %swap3A_81] {strides = array<i32>} : memref<80x128xi32, #tpu.memory_space<vmem>>, vector<16xi32>,
      tpu.vector_store %arg13[%swap3A_80, %swap3A_81], %bitcast3A_79 {strides = array<i32>} : memref<80x128xi32, #tpu.memory_space<vmem>>, vector<16xi32>,
      %get3A_83 = arith.index_cast %scan3A_46 : i32 to index
      %get3A_84 = arith.constant 48 : index
      %get3A_85 = tpu.vector_load %arg9[%get3A_83, %get3A_84] {strides = array<i32>} : memref<80x128xi32, #tpu.memory_space<vmem>>, vector<16xi32>,
      %bitcast3A_86 = vector.bitcast %get3A_85 : vector<16xi32> to vector<32xbf16>
      %get3A_87 = arith.index_cast %scan3A_46 : i32 to index
      %get3A_88 = arith.constant 48 : index
      %get3A_89 = tpu.vector_load %arg11[%get3A_87, %get3A_88] {strides = array<i32>} : memref<80x128xi32, #tpu.memory_space<vmem>>, vector<16xi32>,
      %bitcast3A_90 = vector.bitcast %get3A_89 : vector<16xi32> to vector<32xbf16>
      %add3A_91 = arith.addf %bitcast3A_86, %bitcast3A_90 : vector<32xbf16>
      %bitcast3A_92 = vector.bitcast %add3A_91 : vector<32xbf16> to vector<16xi32>
      %swap3A_93 = arith.index_cast %scan3A_46 : i32 to index
      %swap3A_94 = arith.constant 48 : index
      %swap3A_95 = tpu.vector_load %arg13[%swap3A_93, %swap3A_94] {strides = array<i32>} : memref<80x128xi32, #tpu.memory_space<vmem>>, vector<16xi32>,
      tpu.vector_store %arg13[%swap3A_93, %swap3A_94], %bitcast3A_92 {strides = array<i32>} : memref<80x128xi32, #tpu.memory_space<vmem>>, vector<16xi32>,
      %get3A_96 = arith.index_cast %scan3A_46 : i32 to index
      %get3A_97 = arith.constant 64 : index
      %get3A_98 = tpu.vector_load %arg9[%get3A_96, %get3A_97] {strides = array<i32>} : memref<80x128xi32, #tpu.memory_space<vmem>>, vector<16xi32>,
      %bitcast3A_99 = vector.bitcast %get3A_98 : vector<16xi32> to vector<32xbf16>
      %get3A_100 = arith.index_cast %scan3A_46 : i32 to index
      %get3A_101 = arith.constant 64 : index
      %get3A_102 = tpu.vector_load %arg11[%get3A_100, %get3A_101] {strides = array<i32>} : memref<80x128xi32, #tpu.memory_space<vmem>>, vector<16xi32>,
      %bitcast3A_103 = vector.bitcast %get3A_102 : vector<16xi32> to vector<32xbf16>
      %add3A_104 = arith.addf %bitcast3A_99, %bitcast3A_103 : vector<32xbf16>
      %bitcast3A_105 = vector.bitcast %add3A_104 : vector<32xbf16> to vector<16xi32>
      %swap3A_106 = arith.index_cast %scan3A_46 : i32 to index
      %swap3A_107 = arith.constant 64 : index
      %swap3A_108 = tpu.vector_load %arg13[%swap3A_106, %swap3A_107] {strides = array<i32>} : memref<80x128xi32, #tpu.memory_space<vmem>>, vector<16xi32>,
      tpu.vector_store %arg13[%swap3A_106, %swap3A_107], %bitcast3A_105 {strides = array<i32>} : memref<80x128xi32, #tpu.memory_space<vmem>>, vector<16xi32>,
      %get3A_109 = arith.index_cast %scan3A_46 : i32 to index
      %get3A_110 = arith.constant 80 : index
      %get3A_111 = tpu.vector_load %arg9[%get3A_109, %get3A_110] {strides = array<i32>} : memref<80x128xi32, #tpu.memory_space<vmem>>, vector<16xi32>,
      %bitcast3A_112 = vector.bitcast %get3A_111 : vector<16xi32> to vector<32xbf16>
      %get3A_113 = arith.index_cast %scan3A_46 : i32 to index
      %get3A_114 = arith.constant 80 : index
      %get3A_115 = tpu.vector_load %arg11[%get3A_113, %get3A_114] {strides = array<i32>} : memref<80x128xi32, #tpu.memory_space<vmem>>, vector<16xi32>,
      %bitcast3A_116 = vector.bitcast %get3A_115 : vector<16xi32> to vector<32xbf16>
      %add3A_117 = arith.addf %bitcast3A_112, %bitcast3A_116 : vector<32xbf16>
      %bitcast3A_118 = vector.bitcast %add3A_117 : vector<32xbf16> to vector<16xi32>
      %swap3A_119 = arith.index_cast %scan3A_46 : i32 to index
      %swap3A_120 = arith.constant 80 : index
      %swap3A_121 = tpu.vector_load %arg13[%swap3A_119, %swap3A_120] {strides = array<i32>} : memref<80x128xi32, #tpu.memory_space<vmem>>, vector<16xi32>,
      tpu.vector_store %arg13[%swap3A_119, %swap3A_120], %bitcast3A_118 {strides = array<i32>} : memref<80x128xi32, #tpu.memory_space<vmem>>, vector<16xi32>,
      %get3A_122 = arith.index_cast %scan3A_46 : i32 to index
      %get3A_123 = arith.constant 96 : index
      %get3A_124 = tpu.vector_load %arg9[%get3A_122, %get3A_123] {strides = array<i32>} : memref<80x128xi32, #tpu.memory_space<vmem>>, vector<16xi32>,
      %bitcast3A_125 = vector.bitcast %get3A_124 : vector<16xi32> to vector<32xbf16>
      %get3A_126 = arith.index_cast %scan3A_46 : i32 to index
      %get3A_127 = arith.constant 96 : index
      %get3A_128 = tpu.vector_load %arg11[%get3A_126, %get3A_127] {strides = array<i32>} : memref<80x128xi32, #tpu.memory_space<vmem>>, vector<16xi32>,
      %bitcast3A_129 = vector.bitcast %get3A_128 : vector<16xi32> to vector<32xbf16>
      %add3A_130 = arith.addf %bitcast3A_125, %bitcast3A_129 : vector<32xbf16>
      %bitcast3A_131 = vector.bitcast %add3A_130 : vector<32xbf16> to vector<16xi32>
      %swap3A_132 = arith.index_cast %scan3A_46 : i32 to index
      %swap3A_133 = arith.constant 96 : index
      %swap3A_134 = tpu.vector_load %arg13[%swap3A_132, %swap3A_133] {strides = array<i32>} : memref<80x128xi32, #tpu.memory_space<vmem>>, vector<16xi32>,
      tpu.vector_store %arg13[%swap3A_132, %swap3A_133], %bitcast3A_131 {strides = array<i32>} : memref<80x128xi32, #tpu.memory_space<vmem>>, vector<16xi32>,
      %get3A_135 = arith.index_cast %scan3A_46 : i32 to index
      %get3A_136 = arith.constant 112 : index
      %get3A_137 = tpu.vector_load %arg9[%get3A_135, %get3A_136] {strides = array<i32>} : memref<80x128xi32, #tpu.memory_space<vmem>>, vector<16xi32>,
      %bitcast3A_138 = vector.bitcast %get3A_137 : vector<16xi32> to vector<32xbf16>
      %get3A_139 = arith.index_cast %scan3A_46 : i32 to index
      %get3A_140 = arith.constant 112 : index
      %get3A_141 = tpu.vector_load %arg11[%get3A_139, %get3A_140] {strides = array<i32>} : memref<80x128xi32, #tpu.memory_space<vmem>>, vector<16xi32>,
      %bitcast3A_142 = vector.bitcast %get3A_141 : vector<16xi32> to vector<32xbf16>
      %add3A_143 = arith.addf %bitcast3A_138, %bitcast3A_142 : vector<32xbf16>
      %bitcast3A_144 = vector.bitcast %add3A_143 : vector<32xbf16> to vector<16xi32>
      %swap3A_145 = arith.index_cast %scan3A_46 : i32 to index
      %swap3A_146 = arith.constant 112 : index
      %swap3A_147 = tpu.vector_load %arg13[%swap3A_145, %swap3A_146] {strides = array<i32>} : memref<80x128xi32, #tpu.memory_space<vmem>>, vector<16xi32>,
      tpu.vector_store %arg13[%swap3A_145, %swap3A_146], %bitcast3A_144 {strides = array<i32>} : memref<80x128xi32, #tpu.memory_space<vmem>>, vector<16xi32>,
    }
    %scan3A_31 = arith.constant 80 : i32
    %add3A_32 = arith.constant 9920 : i32
    %add3A_33 = arith.addi %mul3A_2, %add3A_32 : i32
    %dma_start3A_34 = arith.constant 0 : i32
    %dma_start3A_35 = tpu.memref_slice %arg6[%add3A_33, %dma_start3A_34] : memref<320000x128xi32, #tpu.memory_space<hbm>> -> memref<80x128xi32, #tpu.memory_space<hbm>>
    %dma_start3A_36 = arith.constant 0 : i32
    %dma_start3A_37 = tpu.memref_slice %arg6[%add3A_33, %dma_start3A_36] : memref<320000x128xi32, #tpu.memory_space<hbm>> -> memref<80x128xi32, #tpu.memory_space<hbm>>
    tpu.enqueue_dma source(%arg13 : memref<80x128xi32, #tpu.memory_space<vmem>>) target(%dma_start3A_37 : memref<80x128xi32, #tpu.memory_space<hbm>>) target_semaphore(%arg17 : memref<!tpu.dma_semaphore, #tpu.memory_space<semaphore_mem>>)
    %dma_wait3A_38 = arith.constant 0 : i32
    %dma_wait3A_39 = tpu.memref_slice %arg6[%mul3A_2, %dma_wait3A_38] : memref<320000x128xi32, #tpu.memory_space<hbm>> -> memref<80x128xi32, #tpu.memory_space<hbm>>
    %dma_wait3A_40 = arith.constant 0 : i32
    %dma_wait3A_41 = tpu.memref_slice %arg6[%mul3A_2, %dma_wait3A_40] : memref<320000x128xi32, #tpu.memory_space<hbm>> -> memref<80x128xi32, #tpu.memory_space<hbm>>
    tpu.wait_dma2 semaphore(%arg17 : memref<!tpu.dma_semaphore, #tpu.memory_space<semaphore_mem>>) src(%arg13 : memref<80x128xi32, #tpu.memory_space<vmem>>) dst(%dma_wait3A_41 : memref<80x128xi32, #tpu.memory_space<hbm>>)
    %dma_wait3A_42 = arith.constant 0 : i32
    %dma_wait3A_43 = tpu.memref_slice %arg6[%mul3A_2, %dma_wait3A_42] : memref<320000x128xi32, #tpu.memory_space<hbm>> -> memref<80x128xi32, #tpu.memory_space<hbm>>
    %dma_wait3A_44 = arith.constant 0 : i32
    %dma_wait3A_45 = tpu.memref_slice %arg6[%mul3A_2, %dma_wait3A_44] : memref<320000x128xi32, #tpu.memory_space<hbm>> -> memref<80x128xi32, #tpu.memory_space<hbm>>
    tpu.wait_dma2 semaphore(%arg18 : memref<!tpu.dma_semaphore, #tpu.memory_space<semaphore_mem>>) src(%arg14 : memref<80x128xi32, #tpu.memory_space<vmem>>) dst(%dma_wait3A_45 : memref<80x128xi32, #tpu.memory_space<hbm>>)
    return
  }
}

#map = affine_map<(d0, d1) -> (0, 0)>
#map1 = affine_map<(d0, d1) -> (0)>
module attributes {stable_mosaic.version = 14 : i64} {
  func.func @_sc_body(%arg0: i32, %arg1: i32, %arg2: memref<10000x128xi32, #tpu.memory_space<hbm>>, %arg3: memref<10000x128xi32, #tpu.memory_space<hbm>>, %arg4: memref<320000xi32, #tpu.memory_space<hbm>>, %arg5: memref<320000xi32, #tpu.memory_space<hbm>>, %arg6: memref<320000x128xi32, #tpu.memory_space<hbm>>, %arg7: memref<10000xi32, #tpu.memory_space<vmem>>, %arg8: memref<10000xi32, #tpu.memory_space<vmem>>, %arg9: memref<80x128xi32, #tpu.memory_space<vmem>>, %arg10: memref<80x128xi32, #tpu.memory_space<vmem>>, %arg11: memref<80x128xi32, #tpu.memory_space<vmem>>, %arg12: memref<80x128xi32, #tpu.memory_space<vmem>>, %arg13: memref<80x128xi32, #tpu.memory_space<vmem>>, %arg14: memref<80x128xi32, #tpu.memory_space<vmem>>, %arg15: memref<!tpu.dma_semaphore, #tpu.memory_space<semaphore_mem>>, %arg16: memref<!tpu.dma_semaphore, #tpu.memory_space<semaphore_mem>>, %arg17: memref<!tpu.dma_semaphore, #tpu.memory_space<semaphore_mem>>, %arg18: memref<!tpu.dma_semaphore, #tpu.memory_space<semaphore_mem>>) attributes {dimension_semantics = [#tpu.dimension_semantics<core_parallel>, #tpu.dimension_semantics<subcore_parallel>], iteration_bounds = array<i64: 2, 16>, scalar_prefetch = 0 : i64, scratch_operands = 12 : i64, tpu.core_type = #tpu.core_type<sc_vector_subcore>, window_params = [{transform_indices = #map}, {transform_indices = #map}, {transform_indices = #map1}, {transform_indices = #map1}, {transform_indices = #map}]} {
    %mul3A = arith.constant 2 : i32
    %mul3A_0 = arith.muli %arg1, %mul3A : i32
    %add3A = arith.addi %mul3A_0, %arg0 : i32
    %mul3A_1 = arith.constant 10000 : i32
    %mul3A_2 = arith.muli %add3A, %mul3A_1 : i32
    "tpu.region"() ({
      %run_scoped3A = tpu.sem_alloc : memref<!tpu.dma_semaphore, #tpu.memory_space<semaphore_mem>>
      %dma_start3A_46 = tpu.memref_slice %arg4[%mul3A_2] : memref<320000xi32, #tpu.memory_space<hbm>> -> memref<10000xi32, #tpu.memory_space<hbm>>
      %dma_start3A_47 = tpu.memref_slice %arg4[%mul3A_2] : memref<320000xi32, #tpu.memory_space<hbm>> -> memref<10000xi32, #tpu.memory_space<hbm>>
      tpu.enqueue_dma source(%dma_start3A_47 : memref<10000xi32, #tpu.memory_space<hbm>>) target(%arg7 : memref<10000xi32, #tpu.memory_space<vmem>>) target_semaphore(%run_scoped3A : memref<!tpu.dma_semaphore, #tpu.memory_space<semaphore_mem>>)
      %dma_wait3A_48 = tpu.memref_slice %arg4[%mul3A_2] : memref<320000xi32, #tpu.memory_space<hbm>> -> memref<10000xi32, #tpu.memory_space<hbm>>
      %dma_wait3A_49 = tpu.memref_slice %arg4[%mul3A_2] : memref<320000xi32, #tpu.memory_space<hbm>> -> memref<10000xi32, #tpu.memory_space<hbm>>
      tpu.wait_dma2 semaphore(%run_scoped3A : memref<!tpu.dma_semaphore, #tpu.memory_space<semaphore_mem>>) src(%dma_wait3A_49 : memref<10000xi32, #tpu.memory_space<hbm>>) dst(%arg7 : memref<10000xi32, #tpu.memory_space<vmem>>)
      tpu.yield
    }) : () -> ()
    "tpu.region"() ({
      %run_scoped3A = tpu.sem_alloc : memref<!tpu.dma_semaphore, #tpu.memory_space<semaphore_mem>>
      %dma_start3A_46 = tpu.memref_slice %arg5[%mul3A_2] : memref<320000xi32, #tpu.memory_space<hbm>> -> memref<10000xi32, #tpu.memory_space<hbm>>
      %dma_start3A_47 = tpu.memref_slice %arg5[%mul3A_2] : memref<320000xi32, #tpu.memory_space<hbm>> -> memref<10000xi32, #tpu.memory_space<hbm>>
      tpu.enqueue_dma source(%dma_start3A_47 : memref<10000xi32, #tpu.memory_space<hbm>>) target(%arg8 : memref<10000xi32, #tpu.memory_space<vmem>>) target_semaphore(%run_scoped3A : memref<!tpu.dma_semaphore, #tpu.memory_space<semaphore_mem>>)
      %dma_wait3A_48 = tpu.memref_slice %arg5[%mul3A_2] : memref<320000xi32, #tpu.memory_space<hbm>> -> memref<10000xi32, #tpu.memory_space<hbm>>
      %dma_wait3A_49 = tpu.memref_slice %arg5[%mul3A_2] : memref<320000xi32, #tpu.memory_space<hbm>> -> memref<10000xi32, #tpu.memory_space<hbm>>
      tpu.wait_dma2 semaphore(%run_scoped3A : memref<!tpu.dma_semaphore, #tpu.memory_space<semaphore_mem>>) src(%dma_wait3A_49 : memref<10000xi32, #tpu.memory_space<hbm>>) dst(%arg8 : memref<10000xi32, #tpu.memory_space<vmem>>)
      tpu.yield
    }) : () -> ()
    %dma_start3A = arith.constant 0 : i32
    %dma_start3A_3 = tpu.memref_slice %arg7[%dma_start3A] : memref<10000xi32, #tpu.memory_space<vmem>> -> memref<80xi32, #tpu.memory_space<vmem>>
    %dma_start3A_4 = arith.constant 0 : i32
    %dma_start3A_5 = arith.constant 0 : i32
    %dma_start3A_6 = tpu.memref_slice %arg2[%dma_start3A_4, %dma_start3A_5] : memref<10000x128xi32, #tpu.memory_space<hbm>> -> memref<10000x128xi32, #tpu.memory_space<hbm>>
    tpu.enqueue_indirect_dma source(%dma_start3A_6 : memref<10000x128xi32, #tpu.memory_space<hbm>>) target(%arg9 : memref<80x128xi32, #tpu.memory_space<vmem>>) offsets(%dma_start3A_3 : memref<80xi32, #tpu.memory_space<vmem>>) semaphore(%arg15 : memref<!tpu.dma_semaphore, #tpu.memory_space<semaphore_mem>>)
    %dma_start3A_7 = arith.constant 0 : i32
    %dma_start3A_8 = tpu.memref_slice %arg8[%dma_start3A_7] : memref<10000xi32, #tpu.memory_space<vmem>> -> memref<80xi32, #tpu.memory_space<vmem>>
    %dma_start3A_9 = arith.constant 0 : i32
    %dma_start3A_10 = arith.constant 0 : i32
    %dma_start3A_11 = tpu.memref_slice %arg3[%dma_start3A_9, %dma_start3A_10] : memref<10000x128xi32, #tpu.memory_space<hbm>> -> memref<10000x128xi32, #tpu.memory_space<hbm>>
    tpu.enqueue_indirect_dma source(%dma_start3A_11 : memref<10000x128xi32, #tpu.memory_space<hbm>>) target(%arg11 : memref<80x128xi32, #tpu.memory_space<vmem>>) offsets(%dma_start3A_8 : memref<80xi32, #tpu.memory_space<vmem>>) semaphore(%arg15 : memref<!tpu.dma_semaphore, #tpu.memory_space<semaphore_mem>>)
    %scan3A = arith.constant 0 : i32
    %scan3A_12 = arith.constant 0 : i32
    %scan3A_13 = arith.constant 62 : i32
    %scan3A_14 = arith.addi %scan3A_12, %scan3A_13 : i32
    %scan3A_15 = arith.constant 1 : i32
    scf.for %scan3A_46 = %scan3A_12 to %scan3A_14 step %scan3A_15  : i32 {
      %mul3A_47 = arith.constant 2 : i32
      %mul3A_48 = arith.muli %mul3A_47, %scan3A_46 : i32
      %add3A_49 = arith.constant 0 : i32
      %add3A_50 = arith.addi %mul3A_48, %add3A_49 : i32
      %gt3A = arith.constant 0 : i32
      %gt3A_51 = arith.cmpi sgt, %scan3A_46, %gt3A : i32
      %convert_element_type3A = arith.extui %gt3A_51 : i1 to i32
      %cond3A = arith.constant 0 : i32
      %cond3A_52 = arith.cmpi ne, %convert_element_type3A, %cond3A : i32
      scf.if %cond3A_52 {
        %dma_wait3A_135 = arith.constant 0 : i32
        %dma_wait3A_136 = tpu.memref_slice %arg6[%mul3A_2, %dma_wait3A_135] : memref<320000x128xi32, #tpu.memory_space<hbm>> -> memref<80x128xi32, #tpu.memory_space<hbm>>
        %dma_wait3A_137 = arith.constant 0 : i32
        %dma_wait3A_138 = tpu.memref_slice %arg6[%mul3A_2, %dma_wait3A_137] : memref<320000x128xi32, #tpu.memory_space<hbm>> -> memref<80x128xi32, #tpu.memory_space<hbm>>
        tpu.wait_dma2 semaphore(%arg18 : memref<!tpu.dma_semaphore, #tpu.memory_space<semaphore_mem>>) src(%arg14 : memref<80x128xi32, #tpu.memory_space<vmem>>) dst(%dma_wait3A_138 : memref<80x128xi32, #tpu.memory_space<hbm>>)
      } else {
      }
      %add3A_53 = arith.constant 1 : i32
      %add3A_54 = arith.addi %add3A_50, %add3A_53 : i32
      %mul3A_55 = arith.constant 80 : i32
      %mul3A_56 = arith.muli %add3A_54, %mul3A_55 : i32
      %mul3A_57 = arith.constant 80 : i32
      %mul3A_58 = arith.muli %add3A_54, %mul3A_57 : i32
      %dma_start3A_59 = tpu.memref_slice %arg7[%mul3A_56] : memref<10000xi32, #tpu.memory_space<vmem>> -> memref<80xi32, #tpu.memory_space<vmem>>
      %dma_start3A_60 = arith.constant 0 : i32
      %dma_start3A_61 = arith.constant 0 : i32
      %dma_start3A_62 = tpu.memref_slice %arg2[%dma_start3A_60, %dma_start3A_61] : memref<10000x128xi32, #tpu.memory_space<hbm>> -> memref<10000x128xi32, #tpu.memory_space<hbm>>
      tpu.enqueue_indirect_dma source(%dma_start3A_62 : memref<10000x128xi32, #tpu.memory_space<hbm>>) target(%arg10 : memref<80x128xi32, #tpu.memory_space<vmem>>) offsets(%dma_start3A_59 : memref<80xi32, #tpu.memory_space<vmem>>) semaphore(%arg16 : memref<!tpu.dma_semaphore, #tpu.memory_space<semaphore_mem>>)
      %dma_start3A_63 = tpu.memref_slice %arg8[%mul3A_58] : memref<10000xi32, #tpu.memory_space<vmem>> -> memref<80xi32, #tpu.memory_space<vmem>>
      %dma_start3A_64 = arith.constant 0 : i32
      %dma_start3A_65 = arith.constant 0 : i32
      %dma_start3A_66 = tpu.memref_slice %arg3[%dma_start3A_64, %dma_start3A_65] : memref<10000x128xi32, #tpu.memory_space<hbm>> -> memref<10000x128xi32, #tpu.memory_space<hbm>>
      tpu.enqueue_indirect_dma source(%dma_start3A_66 : memref<10000x128xi32, #tpu.memory_space<hbm>>) target(%arg12 : memref<80x128xi32, #tpu.memory_space<vmem>>) offsets(%dma_start3A_63 : memref<80xi32, #tpu.memory_space<vmem>>) semaphore(%arg16 : memref<!tpu.dma_semaphore, #tpu.memory_space<semaphore_mem>>)
      %dma_wait3A_67 = arith.constant 0 : i32
      %dma_wait3A_68 = tpu.memref_slice %arg7[%dma_wait3A_67] : memref<10000xi32, #tpu.memory_space<vmem>> -> memref<80xi32, #tpu.memory_space<vmem>>
      %dma_wait3A_69 = arith.constant 0 : i32
      %dma_wait3A_70 = arith.constant 0 : i32
      %dma_wait3A_71 = tpu.memref_slice %arg2[%dma_wait3A_69, %dma_wait3A_70] : memref<10000x128xi32, #tpu.memory_space<hbm>> -> memref<10000x128xi32, #tpu.memory_space<hbm>>
      tpu.wait_indirect_dma semaphore(%arg15 : memref<!tpu.dma_semaphore, #tpu.memory_space<semaphore_mem>>) src(%dma_wait3A_71 : memref<10000x128xi32, #tpu.memory_space<hbm>>) dst(%arg9 : memref<80x128xi32, #tpu.memory_space<vmem>>)
      %dma_wait3A_72 = arith.constant 0 : i32
      %dma_wait3A_73 = tpu.memref_slice %arg8[%dma_wait3A_72] : memref<10000xi32, #tpu.memory_space<vmem>> -> memref<80xi32, #tpu.memory_space<vmem>>
      %dma_wait3A_74 = arith.constant 0 : i32
      %dma_wait3A_75 = arith.constant 0 : i32
      %dma_wait3A_76 = tpu.memref_slice %arg3[%dma_wait3A_74, %dma_wait3A_75] : memref<10000x128xi32, #tpu.memory_space<hbm>> -> memref<10000x128xi32, #tpu.memory_space<hbm>>
      tpu.wait_indirect_dma semaphore(%arg15 : memref<!tpu.dma_semaphore, #tpu.memory_space<semaphore_mem>>) src(%dma_wait3A_76 : memref<10000x128xi32, #tpu.memory_space<hbm>>) dst(%arg11 : memref<80x128xi32, #tpu.memory_space<vmem>>)
      %scan3A_77 = arith.constant 0 : i32
      %scan3A_78 = arith.constant 0 : i32
      %scan3A_79 = arith.constant 80 : i32
      %scan3A_80 = arith.addi %scan3A_78, %scan3A_79 : i32
      %scan3A_81 = arith.constant 1 : i32
      scf.for %scan3A_135 = %scan3A_78 to %scan3A_80 step %scan3A_81  : i32 {
        %get3A = arith.index_cast %scan3A_135 : i32 to index
        %get3A_136 = arith.constant 0 : index
        %get3A_137 = tpu.vector_load %arg9[%get3A, %get3A_136] {strides = array<i32>} : memref<80x128xi32, #tpu.memory_space<vmem>>, vector<16xi32>,
        %bitcast3A = vector.bitcast %get3A_137 : vector<16xi32> to vector<32xbf16>
        %get3A_138 = arith.index_cast %scan3A_135 : i32 to index
        %get3A_139 = arith.constant 0 : index
        %get3A_140 = tpu.vector_load %arg11[%get3A_138, %get3A_139] {strides = array<i32>} : memref<80x128xi32, #tpu.memory_space<vmem>>, vector<16xi32>,
        %bitcast3A_141 = vector.bitcast %get3A_140 : vector<16xi32> to vector<32xbf16>
        %add3A_142 = arith.addf %bitcast3A, %bitcast3A_141 : vector<32xbf16>
        %bitcast3A_143 = vector.bitcast %add3A_142 : vector<32xbf16> to vector<16xi32>
        %swap3A = arith.index_cast %scan3A_135 : i32 to index
        %swap3A_144 = arith.constant 0 : index
        %swap3A_145 = tpu.vector_load %arg13[%swap3A, %swap3A_144] {strides = array<i32>} : memref<80x128xi32, #tpu.memory_space<vmem>>, vector<16xi32>,
        tpu.vector_store %arg13[%swap3A, %swap3A_144], %bitcast3A_143 {strides = array<i32>} : memref<80x128xi32, #tpu.memory_space<vmem>>, vector<16xi32>,
        %get3A_146 = arith.index_cast %scan3A_135 : i32 to index
        %get3A_147 = arith.constant 16 : index
        %get3A_148 = tpu.vector_load %arg9[%get3A_146, %get3A_147] {strides = array<i32>} : memref<80x128xi32, #tpu.memory_space<vmem>>, vector<16xi32>,
        %bitcast3A_149 = vector.bitcast %get3A_148 : vector<16xi32> to vector<32xbf16>
        %get3A_150 = arith.index_cast %scan3A_135 : i32 to index
        %get3A_151 = arith.constant 16 : index
        %get3A_152 = tpu.vector_load %arg11[%get3A_150, %get3A_151] {strides = array<i32>} : memref<80x128xi32, #tpu.memory_space<vmem>>, vector<16xi32>,
        %bitcast3A_153 = vector.bitcast %get3A_152 : vector<16xi32> to vector<32xbf16>
        %add3A_154 = arith.addf %bitcast3A_149, %bitcast3A_153 : vector<32xbf16>
        %bitcast3A_155 = vector.bitcast %add3A_154 : vector<32xbf16> to vector<16xi32>
        %swap3A_156 = arith.index_cast %scan3A_135 : i32 to index
        %swap3A_157 = arith.constant 16 : index
        %swap3A_158 = tpu.vector_load %arg13[%swap3A_156, %swap3A_157] {strides = array<i32>} : memref<80x128xi32, #tpu.memory_space<vmem>>, vector<16xi32>,
        tpu.vector_store %arg13[%swap3A_156, %swap3A_157], %bitcast3A_155 {strides = array<i32>} : memref<80x128xi32, #tpu.memory_space<vmem>>, vector<16xi32>,
        %get3A_159 = arith.index_cast %scan3A_135 : i32 to index
        %get3A_160 = arith.constant 32 : index
        %get3A_161 = tpu.vector_load %arg9[%get3A_159, %get3A_160] {strides = array<i32>} : memref<80x128xi32, #tpu.memory_space<vmem>>, vector<16xi32>,
        %bitcast3A_162 = vector.bitcast %get3A_161 : vector<16xi32> to vector<32xbf16>
        %get3A_163 = arith.index_cast %scan3A_135 : i32 to index
        %get3A_164 = arith.constant 32 : index
        %get3A_165 = tpu.vector_load %arg11[%get3A_163, %get3A_164] {strides = array<i32>} : memref<80x128xi32, #tpu.memory_space<vmem>>, vector<16xi32>,
        %bitcast3A_166 = vector.bitcast %get3A_165 : vector<16xi32> to vector<32xbf16>
        %add3A_167 = arith.addf %bitcast3A_162, %bitcast3A_166 : vector<32xbf16>
        %bitcast3A_168 = vector.bitcast %add3A_167 : vector<32xbf16> to vector<16xi32>
        %swap3A_169 = arith.index_cast %scan3A_135 : i32 to index
        %swap3A_170 = arith.constant 32 : index
        %swap3A_171 = tpu.vector_load %arg13[%swap3A_169, %swap3A_170] {strides = array<i32>} : memref<80x128xi32, #tpu.memory_space<vmem>>, vector<16xi32>,
        tpu.vector_store %arg13[%swap3A_169, %swap3A_170], %bitcast3A_168 {strides = array<i32>} : memref<80x128xi32, #tpu.memory_space<vmem>>, vector<16xi32>,
        %get3A_172 = arith.index_cast %scan3A_135 : i32 to index
        %get3A_173 = arith.constant 48 : index
        %get3A_174 = tpu.vector_load %arg9[%get3A_172, %get3A_173] {strides = array<i32>} : memref<80x128xi32, #tpu.memory_space<vmem>>, vector<16xi32>,
        %bitcast3A_175 = vector.bitcast %get3A_174 : vector<16xi32> to vector<32xbf16>
        %get3A_176 = arith.index_cast %scan3A_135 : i32 to index
        %get3A_177 = arith.constant 48 : index
        %get3A_178 = tpu.vector_load %arg11[%get3A_176, %get3A_177] {strides = array<i32>} : memref<80x128xi32, #tpu.memory_space<vmem>>, vector<16xi32>,
        %bitcast3A_179 = vector.bitcast %get3A_178 : vector<16xi32> to vector<32xbf16>
        %add3A_180 = arith.addf %bitcast3A_175, %bitcast3A_179 : vector<32xbf16>
        %bitcast3A_181 = vector.bitcast %add3A_180 : vector<32xbf16> to vector<16xi32>
        %swap3A_182 = arith.index_cast %scan3A_135 : i32 to index
        %swap3A_183 = arith.constant 48 : index
        %swap3A_184 = tpu.vector_load %arg13[%swap3A_182, %swap3A_183] {strides = array<i32>} : memref<80x128xi32, #tpu.memory_space<vmem>>, vector<16xi32>,
        tpu.vector_store %arg13[%swap3A_182, %swap3A_183], %bitcast3A_181 {strides = array<i32>} : memref<80x128xi32, #tpu.memory_space<vmem>>, vector<16xi32>,
        %get3A_185 = arith.index_cast %scan3A_135 : i32 to index
        %get3A_186 = arith.constant 64 : index
        %get3A_187 = tpu.vector_load %arg9[%get3A_185, %get3A_186] {strides = array<i32>} : memref<80x128xi32, #tpu.memory_space<vmem>>, vector<16xi32>,
        %bitcast3A_188 = vector.bitcast %get3A_187 : vector<16xi32> to vector<32xbf16>
        %get3A_189 = arith.index_cast %scan3A_135 : i32 to index
        %get3A_190 = arith.constant 64 : index
        %get3A_191 = tpu.vector_load %arg11[%get3A_189, %get3A_190] {strides = array<i32>} : memref<80x128xi32, #tpu.memory_space<vmem>>, vector<16xi32>,
        %bitcast3A_192 = vector.bitcast %get3A_191 : vector<16xi32> to vector<32xbf16>
        %add3A_193 = arith.addf %bitcast3A_188, %bitcast3A_192 : vector<32xbf16>
        %bitcast3A_194 = vector.bitcast %add3A_193 : vector<32xbf16> to vector<16xi32>
        %swap3A_195 = arith.index_cast %scan3A_135 : i32 to index
        %swap3A_196 = arith.constant 64 : index
        %swap3A_197 = tpu.vector_load %arg13[%swap3A_195, %swap3A_196] {strides = array<i32>} : memref<80x128xi32, #tpu.memory_space<vmem>>, vector<16xi32>,
        tpu.vector_store %arg13[%swap3A_195, %swap3A_196], %bitcast3A_194 {strides = array<i32>} : memref<80x128xi32, #tpu.memory_space<vmem>>, vector<16xi32>,
        %get3A_198 = arith.index_cast %scan3A_135 : i32 to index
        %get3A_199 = arith.constant 80 : index
        %get3A_200 = tpu.vector_load %arg9[%get3A_198, %get3A_199] {strides = array<i32>} : memref<80x128xi32, #tpu.memory_space<vmem>>, vector<16xi32>,
        %bitcast3A_201 = vector.bitcast %get3A_200 : vector<16xi32> to vector<32xbf16>
        %get3A_202 = arith.index_cast %scan3A_135 : i32 to index
        %get3A_203 = arith.constant 80 : index
        %get3A_204 = tpu.vector_load %arg11[%get3A_202, %get3A_203] {strides = array<i32>} : memref<80x128xi32, #tpu.memory_space<vmem>>, vector<16xi32>,
        %bitcast3A_205 = vector.bitcast %get3A_204 : vector<16xi32> to vector<32xbf16>
        %add3A_206 = arith.addf %bitcast3A_201, %bitcast3A_205 : vector<32xbf16>
        %bitcast3A_207 = vector.bitcast %add3A_206 : vector<32xbf16> to vector<16xi32>
        %swap3A_208 = arith.index_cast %scan3A_135 : i32 to index
        %swap3A_209 = arith.constant 80 : index
        %swap3A_210 = tpu.vector_load %arg13[%swap3A_208, %swap3A_209] {strides = array<i32>} : memref<80x128xi32, #tpu.memory_space<vmem>>, vector<16xi32>,
        tpu.vector_store %arg13[%swap3A_208, %swap3A_209], %bitcast3A_207 {strides = array<i32>} : memref<80x128xi32, #tpu.memory_space<vmem>>, vector<16xi32>,
        %get3A_211 = arith.index_cast %scan3A_135 : i32 to index
        %get3A_212 = arith.constant 96 : index
        %get3A_213 = tpu.vector_load %arg9[%get3A_211, %get3A_212] {strides = array<i32>} : memref<80x128xi32, #tpu.memory_space<vmem>>, vector<16xi32>,
        %bitcast3A_214 = vector.bitcast %get3A_213 : vector<16xi32> to vector<32xbf16>
        %get3A_215 = arith.index_cast %scan3A_135 : i32 to index
        %get3A_216 = arith.constant 96 : index
        %get3A_217 = tpu.vector_load %arg11[%get3A_215, %get3A_216] {strides = array<i32>} : memref<80x128xi32, #tpu.memory_space<vmem>>, vector<16xi32>,
        %bitcast3A_218 = vector.bitcast %get3A_217 : vector<16xi32> to vector<32xbf16>
        %add3A_219 = arith.addf %bitcast3A_214, %bitcast3A_218 : vector<32xbf16>
        %bitcast3A_220 = vector.bitcast %add3A_219 : vector<32xbf16> to vector<16xi32>
        %swap3A_221 = arith.index_cast %scan3A_135 : i32 to index
        %swap3A_222 = arith.constant 96 : index
        %swap3A_223 = tpu.vector_load %arg13[%swap3A_221, %swap3A_222] {strides = array<i32>} : memref<80x128xi32, #tpu.memory_space<vmem>>, vector<16xi32>,
        tpu.vector_store %arg13[%swap3A_221, %swap3A_222], %bitcast3A_220 {strides = array<i32>} : memref<80x128xi32, #tpu.memory_space<vmem>>, vector<16xi32>,
        %get3A_224 = arith.index_cast %scan3A_135 : i32 to index
        %get3A_225 = arith.constant 112 : index
        %get3A_226 = tpu.vector_load %arg9[%get3A_224, %get3A_225] {strides = array<i32>} : memref<80x128xi32, #tpu.memory_space<vmem>>, vector<16xi32>,
        %bitcast3A_227 = vector.bitcast %get3A_226 : vector<16xi32> to vector<32xbf16>
        %get3A_228 = arith.index_cast %scan3A_135 : i32 to index
        %get3A_229 = arith.constant 112 : index
        %get3A_230 = tpu.vector_load %arg11[%get3A_228, %get3A_229] {strides = array<i32>} : memref<80x128xi32, #tpu.memory_space<vmem>>, vector<16xi32>,
        %bitcast3A_231 = vector.bitcast %get3A_230 : vector<16xi32> to vector<32xbf16>
        %add3A_232 = arith.addf %bitcast3A_227, %bitcast3A_231 : vector<32xbf16>
        %bitcast3A_233 = vector.bitcast %add3A_232 : vector<32xbf16> to vector<16xi32>
        %swap3A_234 = arith.index_cast %scan3A_135 : i32 to index
        %swap3A_235 = arith.constant 112 : index
        %swap3A_236 = tpu.vector_load %arg13[%swap3A_234, %swap3A_235] {strides = array<i32>} : memref<80x128xi32, #tpu.memory_space<vmem>>, vector<16xi32>,
        tpu.vector_store %arg13[%swap3A_234, %swap3A_235], %bitcast3A_233 {strides = array<i32>} : memref<80x128xi32, #tpu.memory_space<vmem>>, vector<16xi32>,
      }
      %scan3A_82 = arith.constant 80 : i32
      %mul3A_83 = arith.constant 80 : i32
      %mul3A_84 = arith.muli %add3A_50, %mul3A_83 : i32
      %add3A_85 = arith.addi %mul3A_2, %mul3A_84 : i32
      %dma_start3A_86 = arith.constant 0 : i32
      %dma_start3A_87 = tpu.memref_slice %arg6[%add3A_85, %dma_start3A_86] : memref<320000x128xi32, #tpu.memory_space<hbm>> -> memref<80x128xi32, #tpu.memory_space<hbm>>
      %dma_start3A_88 = arith.constant 0 : i32
      %dma_start3A_89 = tpu.memref_slice %arg6[%add3A_85, %dma_start3A_88] : memref<320000x128xi32, #tpu.memory_space<hbm>> -> memref<80x128xi32, #tpu.memory_space<hbm>>
      tpu.enqueue_dma source(%arg13 : memref<80x128xi32, #tpu.memory_space<vmem>>) target(%dma_start3A_89 : memref<80x128xi32, #tpu.memory_space<hbm>>) target_semaphore(%arg17 : memref<!tpu.dma_semaphore, #tpu.memory_space<semaphore_mem>>)
      %mul3A_90 = arith.constant 2 : i32
      %mul3A_91 = arith.muli %mul3A_90, %scan3A_46 : i32
      %add3A_92 = arith.constant 1 : i32
      %add3A_93 = arith.addi %mul3A_91, %add3A_92 : i32
      %dma_wait3A_94 = arith.constant 0 : i32
      %dma_wait3A_95 = tpu.memref_slice %arg6[%mul3A_2, %dma_wait3A_94] : memref<320000x128xi32, #tpu.memory_space<hbm>> -> memref<80x128xi32, #tpu.memory_space<hbm>>
      %dma_wait3A_96 = arith.constant 0 : i32
      %dma_wait3A_97 = tpu.memref_slice %arg6[%mul3A_2, %dma_wait3A_96] : memref<320000x128xi32, #tpu.memory_space<hbm>> -> memref<80x128xi32, #tpu.memory_space<hbm>>
      tpu.wait_dma2 semaphore(%arg17 : memref<!tpu.dma_semaphore, #tpu.memory_space<semaphore_mem>>) src(%arg13 : memref<80x128xi32, #tpu.memory_space<vmem>>) dst(%dma_wait3A_97 : memref<80x128xi32, #tpu.memory_space<hbm>>)
      %add3A_98 = arith.constant 1 : i32
      %add3A_99 = arith.addi %add3A_93, %add3A_98 : i32
      %mul3A_100 = arith.constant 80 : i32
      %mul3A_101 = arith.muli %add3A_99, %mul3A_100 : i32
      %mul3A_102 = arith.constant 80 : i32
      %mul3A_103 = arith.muli %add3A_99, %mul3A_102 : i32
      %dma_start3A_104 = tpu.memref_slice %arg7[%mul3A_101] : memref<10000xi32, #tpu.memory_space<vmem>> -> memref<80xi32, #tpu.memory_space<vmem>>
      %dma_start3A_105 = arith.constant 0 : i32
      %dma_start3A_106 = arith.constant 0 : i32
      %dma_start3A_107 = tpu.memref_slice %arg2[%dma_start3A_105, %dma_start3A_106] : memref<10000x128xi32, #tpu.memory_space<hbm>> -> memref<10000x128xi32, #tpu.memory_space<hbm>>
      tpu.enqueue_indirect_dma source(%dma_start3A_107 : memref<10000x128xi32, #tpu.memory_space<hbm>>) target(%arg9 : memref<80x128xi32, #tpu.memory_space<vmem>>) offsets(%dma_start3A_104 : memref<80xi32, #tpu.memory_space<vmem>>) semaphore(%arg15 : memref<!tpu.dma_semaphore, #tpu.memory_space<semaphore_mem>>)
      %dma_start3A_108 = tpu.memref_slice %arg8[%mul3A_103] : memref<10000xi32, #tpu.memory_space<vmem>> -> memref<80xi32, #tpu.memory_space<vmem>>
      %dma_start3A_109 = arith.constant 0 : i32
      %dma_start3A_110 = arith.constant 0 : i32
      %dma_start3A_111 = tpu.memref_slice %arg3[%dma_start3A_109, %dma_start3A_110] : memref<10000x128xi32, #tpu.memory_space<hbm>> -> memref<10000x128xi32, #tpu.memory_space<hbm>>
      tpu.enqueue_indirect_dma source(%dma_start3A_111 : memref<10000x128xi32, #tpu.memory_space<hbm>>) target(%arg11 : memref<80x128xi32, #tpu.memory_space<vmem>>) offsets(%dma_start3A_108 : memref<80xi32, #tpu.memory_space<vmem>>) semaphore(%arg15 : memref<!tpu.dma_semaphore, #tpu.memory_space<semaphore_mem>>)
      %dma_wait3A_112 = arith.constant 0 : i32
      %dma_wait3A_113 = tpu.memref_slice %arg7[%dma_wait3A_112] : memref<10000xi32, #tpu.memory_space<vmem>> -> memref<80xi32, #tpu.memory_space<vmem>>
      %dma_wait3A_114 = arith.constant 0 : i32
      %dma_wait3A_115 = arith.constant 0 : i32
      %dma_wait3A_116 = tpu.memref_slice %arg2[%dma_wait3A_114, %dma_wait3A_115] : memref<10000x128xi32, #tpu.memory_space<hbm>> -> memref<10000x128xi32, #tpu.memory_space<hbm>>
      tpu.wait_indirect_dma semaphore(%arg16 : memref<!tpu.dma_semaphore, #tpu.memory_space<semaphore_mem>>) src(%dma_wait3A_116 : memref<10000x128xi32, #tpu.memory_space<hbm>>) dst(%arg10 : memref<80x128xi32, #tpu.memory_space<vmem>>)
      %dma_wait3A_117 = arith.constant 0 : i32
      %dma_wait3A_118 = tpu.memref_slice %arg8[%dma_wait3A_117] : memref<10000xi32, #tpu.memory_space<vmem>> -> memref<80xi32, #tpu.memory_space<vmem>>
      %dma_wait3A_119 = arith.constant 0 : i32
      %dma_wait3A_120 = arith.constant 0 : i32
      %dma_wait3A_121 = tpu.memref_slice %arg3[%dma_wait3A_119, %dma_wait3A_120] : memref<10000x128xi32, #tpu.memory_space<hbm>> -> memref<10000x128xi32, #tpu.memory_space<hbm>>
      tpu.wait_indirect_dma semaphore(%arg16 : memref<!tpu.dma_semaphore, #tpu.memory_space<semaphore_mem>>) src(%dma_wait3A_121 : memref<10000x128xi32, #tpu.memory_space<hbm>>) dst(%arg12 : memref<80x128xi32, #tpu.memory_space<vmem>>)
      %scan3A_122 = arith.constant 0 : i32
      %scan3A_123 = arith.constant 0 : i32
      %scan3A_124 = arith.constant 80 : i32
      %scan3A_125 = arith.addi %scan3A_123, %scan3A_124 : i32
      %scan3A_126 = arith.constant 1 : i32
      scf.for %scan3A_135 = %scan3A_123 to %scan3A_125 step %scan3A_126  : i32 {
        %get3A = arith.index_cast %scan3A_135 : i32 to index
        %get3A_136 = arith.constant 0 : index
        %get3A_137 = tpu.vector_load %arg10[%get3A, %get3A_136] {strides = array<i32>} : memref<80x128xi32, #tpu.memory_space<vmem>>, vector<16xi32>,
        %bitcast3A = vector.bitcast %get3A_137 : vector<16xi32> to vector<32xbf16>
        %get3A_138 = arith.index_cast %scan3A_135 : i32 to index
        %get3A_139 = arith.constant 0 : index
        %get3A_140 = tpu.vector_load %arg12[%get3A_138, %get3A_139] {strides = array<i32>} : memref<80x128xi32, #tpu.memory_space<vmem>>, vector<16xi32>,
        %bitcast3A_141 = vector.bitcast %get3A_140 : vector<16xi32> to vector<32xbf16>
        %add3A_142 = arith.addf %bitcast3A, %bitcast3A_141 : vector<32xbf16>
        %bitcast3A_143 = vector.bitcast %add3A_142 : vector<32xbf16> to vector<16xi32>
        %swap3A = arith.index_cast %scan3A_135 : i32 to index
        %swap3A_144 = arith.constant 0 : index
        %swap3A_145 = tpu.vector_load %arg14[%swap3A, %swap3A_144] {strides = array<i32>} : memref<80x128xi32, #tpu.memory_space<vmem>>, vector<16xi32>,
        tpu.vector_store %arg14[%swap3A, %swap3A_144], %bitcast3A_143 {strides = array<i32>} : memref<80x128xi32, #tpu.memory_space<vmem>>, vector<16xi32>,
        %get3A_146 = arith.index_cast %scan3A_135 : i32 to index
        %get3A_147 = arith.constant 16 : index
        %get3A_148 = tpu.vector_load %arg10[%get3A_146, %get3A_147] {strides = array<i32>} : memref<80x128xi32, #tpu.memory_space<vmem>>, vector<16xi32>,
        %bitcast3A_149 = vector.bitcast %get3A_148 : vector<16xi32> to vector<32xbf16>
        %get3A_150 = arith.index_cast %scan3A_135 : i32 to index
        %get3A_151 = arith.constant 16 : index
        %get3A_152 = tpu.vector_load %arg12[%get3A_150, %get3A_151] {strides = array<i32>} : memref<80x128xi32, #tpu.memory_space<vmem>>, vector<16xi32>,
        %bitcast3A_153 = vector.bitcast %get3A_152 : vector<16xi32> to vector<32xbf16>
        %add3A_154 = arith.addf %bitcast3A_149, %bitcast3A_153 : vector<32xbf16>
        %bitcast3A_155 = vector.bitcast %add3A_154 : vector<32xbf16> to vector<16xi32>
        %swap3A_156 = arith.index_cast %scan3A_135 : i32 to index
        %swap3A_157 = arith.constant 16 : index
        %swap3A_158 = tpu.vector_load %arg14[%swap3A_156, %swap3A_157] {strides = array<i32>} : memref<80x128xi32, #tpu.memory_space<vmem>>, vector<16xi32>,
        tpu.vector_store %arg14[%swap3A_156, %swap3A_157], %bitcast3A_155 {strides = array<i32>} : memref<80x128xi32, #tpu.memory_space<vmem>>, vector<16xi32>,
        %get3A_159 = arith.index_cast %scan3A_135 : i32 to index
        %get3A_160 = arith.constant 32 : index
        %get3A_161 = tpu.vector_load %arg10[%get3A_159, %get3A_160] {strides = array<i32>} : memref<80x128xi32, #tpu.memory_space<vmem>>, vector<16xi32>,
        %bitcast3A_162 = vector.bitcast %get3A_161 : vector<16xi32> to vector<32xbf16>
        %get3A_163 = arith.index_cast %scan3A_135 : i32 to index
        %get3A_164 = arith.constant 32 : index
        %get3A_165 = tpu.vector_load %arg12[%get3A_163, %get3A_164] {strides = array<i32>} : memref<80x128xi32, #tpu.memory_space<vmem>>, vector<16xi32>,
        %bitcast3A_166 = vector.bitcast %get3A_165 : vector<16xi32> to vector<32xbf16>
        %add3A_167 = arith.addf %bitcast3A_162, %bitcast3A_166 : vector<32xbf16>
        %bitcast3A_168 = vector.bitcast %add3A_167 : vector<32xbf16> to vector<16xi32>
        %swap3A_169 = arith.index_cast %scan3A_135 : i32 to index
        %swap3A_170 = arith.constant 32 : index
        %swap3A_171 = tpu.vector_load %arg14[%swap3A_169, %swap3A_170] {strides = array<i32>} : memref<80x128xi32, #tpu.memory_space<vmem>>, vector<16xi32>,
        tpu.vector_store %arg14[%swap3A_169, %swap3A_170], %bitcast3A_168 {strides = array<i32>} : memref<80x128xi32, #tpu.memory_space<vmem>>, vector<16xi32>,
        %get3A_172 = arith.index_cast %scan3A_135 : i32 to index
        %get3A_173 = arith.constant 48 : index
        %get3A_174 = tpu.vector_load %arg10[%get3A_172, %get3A_173] {strides = array<i32>} : memref<80x128xi32, #tpu.memory_space<vmem>>, vector<16xi32>,
        %bitcast3A_175 = vector.bitcast %get3A_174 : vector<16xi32> to vector<32xbf16>
        %get3A_176 = arith.index_cast %scan3A_135 : i32 to index
        %get3A_177 = arith.constant 48 : index
        %get3A_178 = tpu.vector_load %arg12[%get3A_176, %get3A_177] {strides = array<i32>} : memref<80x128xi32, #tpu.memory_space<vmem>>, vector<16xi32>,
        %bitcast3A_179 = vector.bitcast %get3A_178 : vector<16xi32> to vector<32xbf16>
        %add3A_180 = arith.addf %bitcast3A_175, %bitcast3A_179 : vector<32xbf16>
        %bitcast3A_181 = vector.bitcast %add3A_180 : vector<32xbf16> to vector<16xi32>
        %swap3A_182 = arith.index_cast %scan3A_135 : i32 to index
        %swap3A_183 = arith.constant 48 : index
        %swap3A_184 = tpu.vector_load %arg14[%swap3A_182, %swap3A_183] {strides = array<i32>} : memref<80x128xi32, #tpu.memory_space<vmem>>, vector<16xi32>,
        tpu.vector_store %arg14[%swap3A_182, %swap3A_183], %bitcast3A_181 {strides = array<i32>} : memref<80x128xi32, #tpu.memory_space<vmem>>, vector<16xi32>,
        %get3A_185 = arith.index_cast %scan3A_135 : i32 to index
        %get3A_186 = arith.constant 64 : index
        %get3A_187 = tpu.vector_load %arg10[%get3A_185, %get3A_186] {strides = array<i32>} : memref<80x128xi32, #tpu.memory_space<vmem>>, vector<16xi32>,
        %bitcast3A_188 = vector.bitcast %get3A_187 : vector<16xi32> to vector<32xbf16>
        %get3A_189 = arith.index_cast %scan3A_135 : i32 to index
        %get3A_190 = arith.constant 64 : index
        %get3A_191 = tpu.vector_load %arg12[%get3A_189, %get3A_190] {strides = array<i32>} : memref<80x128xi32, #tpu.memory_space<vmem>>, vector<16xi32>,
        %bitcast3A_192 = vector.bitcast %get3A_191 : vector<16xi32> to vector<32xbf16>
        %add3A_193 = arith.addf %bitcast3A_188, %bitcast3A_192 : vector<32xbf16>
        %bitcast3A_194 = vector.bitcast %add3A_193 : vector<32xbf16> to vector<16xi32>
        %swap3A_195 = arith.index_cast %scan3A_135 : i32 to index
        %swap3A_196 = arith.constant 64 : index
        %swap3A_197 = tpu.vector_load %arg14[%swap3A_195, %swap3A_196] {strides = array<i32>} : memref<80x128xi32, #tpu.memory_space<vmem>>, vector<16xi32>,
        tpu.vector_store %arg14[%swap3A_195, %swap3A_196], %bitcast3A_194 {strides = array<i32>} : memref<80x128xi32, #tpu.memory_space<vmem>>, vector<16xi32>,
        %get3A_198 = arith.index_cast %scan3A_135 : i32 to index
        %get3A_199 = arith.constant 80 : index
        %get3A_200 = tpu.vector_load %arg10[%get3A_198, %get3A_199] {strides = array<i32>} : memref<80x128xi32, #tpu.memory_space<vmem>>, vector<16xi32>,
        %bitcast3A_201 = vector.bitcast %get3A_200 : vector<16xi32> to vector<32xbf16>
        %get3A_202 = arith.index_cast %scan3A_135 : i32 to index
        %get3A_203 = arith.constant 80 : index
        %get3A_204 = tpu.vector_load %arg12[%get3A_202, %get3A_203] {strides = array<i32>} : memref<80x128xi32, #tpu.memory_space<vmem>>, vector<16xi32>,
        %bitcast3A_205 = vector.bitcast %get3A_204 : vector<16xi32> to vector<32xbf16>
        %add3A_206 = arith.addf %bitcast3A_201, %bitcast3A_205 : vector<32xbf16>
        %bitcast3A_207 = vector.bitcast %add3A_206 : vector<32xbf16> to vector<16xi32>
        %swap3A_208 = arith.index_cast %scan3A_135 : i32 to index
        %swap3A_209 = arith.constant 80 : index
        %swap3A_210 = tpu.vector_load %arg14[%swap3A_208, %swap3A_209] {strides = array<i32>} : memref<80x128xi32, #tpu.memory_space<vmem>>, vector<16xi32>,
        tpu.vector_store %arg14[%swap3A_208, %swap3A_209], %bitcast3A_207 {strides = array<i32>} : memref<80x128xi32, #tpu.memory_space<vmem>>, vector<16xi32>,
        %get3A_211 = arith.index_cast %scan3A_135 : i32 to index
        %get3A_212 = arith.constant 96 : index
        %get3A_213 = tpu.vector_load %arg10[%get3A_211, %get3A_212] {strides = array<i32>} : memref<80x128xi32, #tpu.memory_space<vmem>>, vector<16xi32>,
        %bitcast3A_214 = vector.bitcast %get3A_213 : vector<16xi32> to vector<32xbf16>
        %get3A_215 = arith.index_cast %scan3A_135 : i32 to index
        %get3A_216 = arith.constant 96 : index
        %get3A_217 = tpu.vector_load %arg12[%get3A_215, %get3A_216] {strides = array<i32>} : memref<80x128xi32, #tpu.memory_space<vmem>>, vector<16xi32>,
        %bitcast3A_218 = vector.bitcast %get3A_217 : vector<16xi32> to vector<32xbf16>
        %add3A_219 = arith.addf %bitcast3A_214, %bitcast3A_218 : vector<32xbf16>
        %bitcast3A_220 = vector.bitcast %add3A_219 : vector<32xbf16> to vector<16xi32>
        %swap3A_221 = arith.index_cast %scan3A_135 : i32 to index
        %swap3A_222 = arith.constant 96 : index
        %swap3A_223 = tpu.vector_load %arg14[%swap3A_221, %swap3A_222] {strides = array<i32>} : memref<80x128xi32, #tpu.memory_space<vmem>>, vector<16xi32>,
        tpu.vector_store %arg14[%swap3A_221, %swap3A_222], %bitcast3A_220 {strides = array<i32>} : memref<80x128xi32, #tpu.memory_space<vmem>>, vector<16xi32>,
        %get3A_224 = arith.index_cast %scan3A_135 : i32 to index
        %get3A_225 = arith.constant 112 : index
        %get3A_226 = tpu.vector_load %arg10[%get3A_224, %get3A_225] {strides = array<i32>} : memref<80x128xi32, #tpu.memory_space<vmem>>, vector<16xi32>,
        %bitcast3A_227 = vector.bitcast %get3A_226 : vector<16xi32> to vector<32xbf16>
        %get3A_228 = arith.index_cast %scan3A_135 : i32 to index
        %get3A_229 = arith.constant 112 : index
        %get3A_230 = tpu.vector_load %arg12[%get3A_228, %get3A_229] {strides = array<i32>} : memref<80x128xi32, #tpu.memory_space<vmem>>, vector<16xi32>,
        %bitcast3A_231 = vector.bitcast %get3A_230 : vector<16xi32> to vector<32xbf16>
        %add3A_232 = arith.addf %bitcast3A_227, %bitcast3A_231 : vector<32xbf16>
        %bitcast3A_233 = vector.bitcast %add3A_232 : vector<32xbf16> to vector<16xi32>
        %swap3A_234 = arith.index_cast %scan3A_135 : i32 to index
        %swap3A_235 = arith.constant 112 : index
        %swap3A_236 = tpu.vector_load %arg14[%swap3A_234, %swap3A_235] {strides = array<i32>} : memref<80x128xi32, #tpu.memory_space<vmem>>, vector<16xi32>,
        tpu.vector_store %arg14[%swap3A_234, %swap3A_235], %bitcast3A_233 {strides = array<i32>} : memref<80x128xi32, #tpu.memory_space<vmem>>, vector<16xi32>,
      }
      %scan3A_127 = arith.constant 80 : i32
      %mul3A_128 = arith.constant 80 : i32
      %mul3A_129 = arith.muli %add3A_93, %mul3A_128 : i32
      %add3A_130 = arith.addi %mul3A_2, %mul3A_129 : i32
      %dma_start3A_131 = arith.constant 0 : i32
      %dma_start3A_132 = tpu.memref_slice %arg6[%add3A_130, %dma_start3A_131] : memref<320000x128xi32, #tpu.memory_space<hbm>> -> memref<80x128xi32, #tpu.memory_space<hbm>>
      %dma_start3A_133 = arith.constant 0 : i32
      %dma_start3A_134 = tpu.memref_slice %arg6[%add3A_130, %dma_start3A_133] : memref<320000x128xi32, #tpu.memory_space<hbm>> -> memref<80x128xi32, #tpu.memory_space<hbm>>
      tpu.enqueue_dma source(%arg14 : memref<80x128xi32, #tpu.memory_space<vmem>>) target(%dma_start3A_134 : memref<80x128xi32, #tpu.memory_space<hbm>>) target_semaphore(%arg18 : memref<!tpu.dma_semaphore, #tpu.memory_space<semaphore_mem>>)
    }
    %scan3A_16 = arith.constant 62 : i32
    %dma_wait3A = arith.constant 0 : i32
    %dma_wait3A_17 = tpu.memref_slice %arg7[%dma_wait3A] : memref<10000xi32, #tpu.memory_space<vmem>> -> memref<80xi32, #tpu.memory_space<vmem>>
    %dma_wait3A_18 = arith.constant 0 : i32
    %dma_wait3A_19 = arith.constant 0 : i32
    %dma_wait3A_20 = tpu.memref_slice %arg2[%dma_wait3A_18, %dma_wait3A_19] : memref<10000x128xi32, #tpu.memory_space<hbm>> -> memref<10000x128xi32, #tpu.memory_space<hbm>>
    tpu.wait_indirect_dma semaphore(%arg15 : memref<!tpu.dma_semaphore, #tpu.memory_space<semaphore_mem>>) src(%dma_wait3A_20 : memref<10000x128xi32, #tpu.memory_space<hbm>>) dst(%arg9 : memref<80x128xi32, #tpu.memory_space<vmem>>)
    %dma_wait3A_21 = arith.constant 0 : i32
    %dma_wait3A_22 = tpu.memref_slice %arg8[%dma_wait3A_21] : memref<10000xi32, #tpu.memory_space<vmem>> -> memref<80xi32, #tpu.memory_space<vmem>>
    %dma_wait3A_23 = arith.constant 0 : i32
    %dma_wait3A_24 = arith.constant 0 : i32
    %dma_wait3A_25 = tpu.memref_slice %arg3[%dma_wait3A_23, %dma_wait3A_24] : memref<10000x128xi32, #tpu.memory_space<hbm>> -> memref<10000x128xi32, #tpu.memory_space<hbm>>
    tpu.wait_indirect_dma semaphore(%arg15 : memref<!tpu.dma_semaphore, #tpu.memory_space<semaphore_mem>>) src(%dma_wait3A_25 : memref<10000x128xi32, #tpu.memory_space<hbm>>) dst(%arg11 : memref<80x128xi32, #tpu.memory_space<vmem>>)
    %scan3A_26 = arith.constant 0 : i32
    %scan3A_27 = arith.constant 0 : i32
    %scan3A_28 = arith.constant 80 : i32
    %scan3A_29 = arith.addi %scan3A_27, %scan3A_28 : i32
    %scan3A_30 = arith.constant 1 : i32
    scf.for %scan3A_46 = %scan3A_27 to %scan3A_29 step %scan3A_30  : i32 {
      %get3A = arith.index_cast %scan3A_46 : i32 to index
      %get3A_47 = arith.constant 0 : index
      %get3A_48 = tpu.vector_load %arg9[%get3A, %get3A_47] {strides = array<i32>} : memref<80x128xi32, #tpu.memory_space<vmem>>, vector<16xi32>,
      %bitcast3A = vector.bitcast %get3A_48 : vector<16xi32> to vector<32xbf16>
      %get3A_49 = arith.index_cast %scan3A_46 : i32 to index
      %get3A_50 = arith.constant 0 : index
      %get3A_51 = tpu.vector_load %arg11[%get3A_49, %get3A_50] {strides = array<i32>} : memref<80x128xi32, #tpu.memory_space<vmem>>, vector<16xi32>,
      %bitcast3A_52 = vector.bitcast %get3A_51 : vector<16xi32> to vector<32xbf16>
      %add3A_53 = arith.addf %bitcast3A, %bitcast3A_52 : vector<32xbf16>
      %bitcast3A_54 = vector.bitcast %add3A_53 : vector<32xbf16> to vector<16xi32>
      %swap3A = arith.index_cast %scan3A_46 : i32 to index
      %swap3A_55 = arith.constant 0 : index
      %swap3A_56 = tpu.vector_load %arg13[%swap3A, %swap3A_55] {strides = array<i32>} : memref<80x128xi32, #tpu.memory_space<vmem>>, vector<16xi32>,
      tpu.vector_store %arg13[%swap3A, %swap3A_55], %bitcast3A_54 {strides = array<i32>} : memref<80x128xi32, #tpu.memory_space<vmem>>, vector<16xi32>,
      %get3A_57 = arith.index_cast %scan3A_46 : i32 to index
      %get3A_58 = arith.constant 16 : index
      %get3A_59 = tpu.vector_load %arg9[%get3A_57, %get3A_58] {strides = array<i32>} : memref<80x128xi32, #tpu.memory_space<vmem>>, vector<16xi32>,
      %bitcast3A_60 = vector.bitcast %get3A_59 : vector<16xi32> to vector<32xbf16>
      %get3A_61 = arith.index_cast %scan3A_46 : i32 to index
      %get3A_62 = arith.constant 16 : index
      %get3A_63 = tpu.vector_load %arg11[%get3A_61, %get3A_62] {strides = array<i32>} : memref<80x128xi32, #tpu.memory_space<vmem>>, vector<16xi32>,
      %bitcast3A_64 = vector.bitcast %get3A_63 : vector<16xi32> to vector<32xbf16>
      %add3A_65 = arith.addf %bitcast3A_60, %bitcast3A_64 : vector<32xbf16>
      %bitcast3A_66 = vector.bitcast %add3A_65 : vector<32xbf16> to vector<16xi32>
      %swap3A_67 = arith.index_cast %scan3A_46 : i32 to index
      %swap3A_68 = arith.constant 16 : index
      %swap3A_69 = tpu.vector_load %arg13[%swap3A_67, %swap3A_68] {strides = array<i32>} : memref<80x128xi32, #tpu.memory_space<vmem>>, vector<16xi32>,
      tpu.vector_store %arg13[%swap3A_67, %swap3A_68], %bitcast3A_66 {strides = array<i32>} : memref<80x128xi32, #tpu.memory_space<vmem>>, vector<16xi32>,
      %get3A_70 = arith.index_cast %scan3A_46 : i32 to index
      %get3A_71 = arith.constant 32 : index
      %get3A_72 = tpu.vector_load %arg9[%get3A_70, %get3A_71] {strides = array<i32>} : memref<80x128xi32, #tpu.memory_space<vmem>>, vector<16xi32>,
      %bitcast3A_73 = vector.bitcast %get3A_72 : vector<16xi32> to vector<32xbf16>
      %get3A_74 = arith.index_cast %scan3A_46 : i32 to index
      %get3A_75 = arith.constant 32 : index
      %get3A_76 = tpu.vector_load %arg11[%get3A_74, %get3A_75] {strides = array<i32>} : memref<80x128xi32, #tpu.memory_space<vmem>>, vector<16xi32>,
      %bitcast3A_77 = vector.bitcast %get3A_76 : vector<16xi32> to vector<32xbf16>
      %add3A_78 = arith.addf %bitcast3A_73, %bitcast3A_77 : vector<32xbf16>
      %bitcast3A_79 = vector.bitcast %add3A_78 : vector<32xbf16> to vector<16xi32>
      %swap3A_80 = arith.index_cast %scan3A_46 : i32 to index
      %swap3A_81 = arith.constant 32 : index
      %swap3A_82 = tpu.vector_load %arg13[%swap3A_80, %swap3A_81] {strides = array<i32>} : memref<80x128xi32, #tpu.memory_space<vmem>>, vector<16xi32>,
      tpu.vector_store %arg13[%swap3A_80, %swap3A_81], %bitcast3A_79 {strides = array<i32>} : memref<80x128xi32, #tpu.memory_space<vmem>>, vector<16xi32>,
      %get3A_83 = arith.index_cast %scan3A_46 : i32 to index
      %get3A_84 = arith.constant 48 : index
      %get3A_85 = tpu.vector_load %arg9[%get3A_83, %get3A_84] {strides = array<i32>} : memref<80x128xi32, #tpu.memory_space<vmem>>, vector<16xi32>,
      %bitcast3A_86 = vector.bitcast %get3A_85 : vector<16xi32> to vector<32xbf16>
      %get3A_87 = arith.index_cast %scan3A_46 : i32 to index
      %get3A_88 = arith.constant 48 : index
      %get3A_89 = tpu.vector_load %arg11[%get3A_87, %get3A_88] {strides = array<i32>} : memref<80x128xi32, #tpu.memory_space<vmem>>, vector<16xi32>,
      %bitcast3A_90 = vector.bitcast %get3A_89 : vector<16xi32> to vector<32xbf16>
      %add3A_91 = arith.addf %bitcast3A_86, %bitcast3A_90 : vector<32xbf16>
      %bitcast3A_92 = vector.bitcast %add3A_91 : vector<32xbf16> to vector<16xi32>
      %swap3A_93 = arith.index_cast %scan3A_46 : i32 to index
      %swap3A_94 = arith.constant 48 : index
      %swap3A_95 = tpu.vector_load %arg13[%swap3A_93, %swap3A_94] {strides = array<i32>} : memref<80x128xi32, #tpu.memory_space<vmem>>, vector<16xi32>,
      tpu.vector_store %arg13[%swap3A_93, %swap3A_94], %bitcast3A_92 {strides = array<i32>} : memref<80x128xi32, #tpu.memory_space<vmem>>, vector<16xi32>,
      %get3A_96 = arith.index_cast %scan3A_46 : i32 to index
      %get3A_97 = arith.constant 64 : index
      %get3A_98 = tpu.vector_load %arg9[%get3A_96, %get3A_97] {strides = array<i32>} : memref<80x128xi32, #tpu.memory_space<vmem>>, vector<16xi32>,
      %bitcast3A_99 = vector.bitcast %get3A_98 : vector<16xi32> to vector<32xbf16>
      %get3A_100 = arith.index_cast %scan3A_46 : i32 to index
      %get3A_101 = arith.constant 64 : index
      %get3A_102 = tpu.vector_load %arg11[%get3A_100, %get3A_101] {strides = array<i32>} : memref<80x128xi32, #tpu.memory_space<vmem>>, vector<16xi32>,
      %bitcast3A_103 = vector.bitcast %get3A_102 : vector<16xi32> to vector<32xbf16>
      %add3A_104 = arith.addf %bitcast3A_99, %bitcast3A_103 : vector<32xbf16>
      %bitcast3A_105 = vector.bitcast %add3A_104 : vector<32xbf16> to vector<16xi32>
      %swap3A_106 = arith.index_cast %scan3A_46 : i32 to index
      %swap3A_107 = arith.constant 64 : index
      %swap3A_108 = tpu.vector_load %arg13[%swap3A_106, %swap3A_107] {strides = array<i32>} : memref<80x128xi32, #tpu.memory_space<vmem>>, vector<16xi32>,
      tpu.vector_store %arg13[%swap3A_106, %swap3A_107], %bitcast3A_105 {strides = array<i32>} : memref<80x128xi32, #tpu.memory_space<vmem>>, vector<16xi32>,
      %get3A_109 = arith.index_cast %scan3A_46 : i32 to index
      %get3A_110 = arith.constant 80 : index
      %get3A_111 = tpu.vector_load %arg9[%get3A_109, %get3A_110] {strides = array<i32>} : memref<80x128xi32, #tpu.memory_space<vmem>>, vector<16xi32>,
      %bitcast3A_112 = vector.bitcast %get3A_111 : vector<16xi32> to vector<32xbf16>
      %get3A_113 = arith.index_cast %scan3A_46 : i32 to index
      %get3A_114 = arith.constant 80 : index
      %get3A_115 = tpu.vector_load %arg11[%get3A_113, %get3A_114] {strides = array<i32>} : memref<80x128xi32, #tpu.memory_space<vmem>>, vector<16xi32>,
      %bitcast3A_116 = vector.bitcast %get3A_115 : vector<16xi32> to vector<32xbf16>
      %add3A_117 = arith.addf %bitcast3A_112, %bitcast3A_116 : vector<32xbf16>
      %bitcast3A_118 = vector.bitcast %add3A_117 : vector<32xbf16> to vector<16xi32>
      %swap3A_119 = arith.index_cast %scan3A_46 : i32 to index
      %swap3A_120 = arith.constant 80 : index
      %swap3A_121 = tpu.vector_load %arg13[%swap3A_119, %swap3A_120] {strides = array<i32>} : memref<80x128xi32, #tpu.memory_space<vmem>>, vector<16xi32>,
      tpu.vector_store %arg13[%swap3A_119, %swap3A_120], %bitcast3A_118 {strides = array<i32>} : memref<80x128xi32, #tpu.memory_space<vmem>>, vector<16xi32>,
      %get3A_122 = arith.index_cast %scan3A_46 : i32 to index
      %get3A_123 = arith.constant 96 : index
      %get3A_124 = tpu.vector_load %arg9[%get3A_122, %get3A_123] {strides = array<i32>} : memref<80x128xi32, #tpu.memory_space<vmem>>, vector<16xi32>,
      %bitcast3A_125 = vector.bitcast %get3A_124 : vector<16xi32> to vector<32xbf16>
      %get3A_126 = arith.index_cast %scan3A_46 : i32 to index
      %get3A_127 = arith.constant 96 : index
      %get3A_128 = tpu.vector_load %arg11[%get3A_126, %get3A_127] {strides = array<i32>} : memref<80x128xi32, #tpu.memory_space<vmem>>, vector<16xi32>,
      %bitcast3A_129 = vector.bitcast %get3A_128 : vector<16xi32> to vector<32xbf16>
      %add3A_130 = arith.addf %bitcast3A_125, %bitcast3A_129 : vector<32xbf16>
      %bitcast3A_131 = vector.bitcast %add3A_130 : vector<32xbf16> to vector<16xi32>
      %swap3A_132 = arith.index_cast %scan3A_46 : i32 to index
      %swap3A_133 = arith.constant 96 : index
      %swap3A_134 = tpu.vector_load %arg13[%swap3A_132, %swap3A_133] {strides = array<i32>} : memref<80x128xi32, #tpu.memory_space<vmem>>, vector<16xi32>,
      tpu.vector_store %arg13[%swap3A_132, %swap3A_133], %bitcast3A_131 {strides = array<i32>} : memref<80x128xi32, #tpu.memory_space<vmem>>, vector<16xi32>,
      %get3A_135 = arith.index_cast %scan3A_46 : i32 to index
      %get3A_136 = arith.constant 112 : index
      %get3A_137 = tpu.vector_load %arg9[%get3A_135, %get3A_136] {strides = array<i32>} : memref<80x128xi32, #tpu.memory_space<vmem>>, vector<16xi32>,
      %bitcast3A_138 = vector.bitcast %get3A_137 : vector<16xi32> to vector<32xbf16>
      %get3A_139 = arith.index_cast %scan3A_46 : i32 to index
      %get3A_140 = arith.constant 112 : index
      %get3A_141 = tpu.vector_load %arg11[%get3A_139, %get3A_140] {strides = array<i32>} : memref<80x128xi32, #tpu.memory_space<vmem>>, vector<16xi32>,
      %bitcast3A_142 = vector.bitcast %get3A_141 : vector<16xi32> to vector<32xbf16>
      %add3A_143 = arith.addf %bitcast3A_138, %bitcast3A_142 : vector<32xbf16>
      %bitcast3A_144 = vector.bitcast %add3A_143 : vector<32xbf16> to vector<16xi32>
      %swap3A_145 = arith.index_cast %scan3A_46 : i32 to index
      %swap3A_146 = arith.constant 112 : index
      %swap3A_147 = tpu.vector_load %arg13[%swap3A_145, %swap3A_146] {strides = array<i32>} : memref<80x128xi32, #tpu.memory_space<vmem>>, vector<16xi32>,
      tpu.vector_store %arg13[%swap3A_145, %swap3A_146], %bitcast3A_144 {strides = array<i32>} : memref<80x128xi32, #tpu.memory_space<vmem>>, vector<16xi32>,
    }
    %scan3A_31 = arith.constant 80 : i32
    %add3A_32 = arith.constant 9920 : i32
    %add3A_33 = arith.addi %mul3A_2, %add3A_32 : i32
    %dma_start3A_34 = arith.constant 0 : i32
    %dma_start3A_35 = tpu.memref_slice %arg6[%add3A_33, %dma_start3A_34] : memref<320000x128xi32, #tpu.memory_space<hbm>> -> memref<80x128xi32, #tpu.memory_space<hbm>>
    %dma_start3A_36 = arith.constant 0 : i32
    %dma_start3A_37 = tpu.memref_slice %arg6[%add3A_33, %dma_start3A_36] : memref<320000x128xi32, #tpu.memory_space<hbm>> -> memref<80x128xi32, #tpu.memory_space<hbm>>
    tpu.enqueue_dma source(%arg13 : memref<80x128xi32, #tpu.memory_space<vmem>>) target(%dma_start3A_37 : memref<80x128xi32, #tpu.memory_space<hbm>>) target_semaphore(%arg17 : memref<!tpu.dma_semaphore, #tpu.memory_space<semaphore_mem>>)
    %dma_wait3A_38 = arith.constant 0 : i32
    %dma_wait3A_39 = tpu.memref_slice %arg6[%mul3A_2, %dma_wait3A_38] : memref<320000x128xi32, #tpu.memory_space<hbm>> -> memref<80x128xi32, #tpu.memory_space<hbm>>
    %dma_wait3A_40 = arith.constant 0 : i32
    %dma_wait3A_41 = tpu.memref_slice %arg6[%mul3A_2, %dma_wait3A_40] : memref<320000x128xi32, #tpu.memory_space<hbm>> -> memref<80x128xi32, #tpu.memory_space<hbm>>
    tpu.wait_dma2 semaphore(%arg17 : memref<!tpu.dma_semaphore, #tpu.memory_space<semaphore_mem>>) src(%arg13 : memref<80x128xi32, #tpu.memory_space<vmem>>) dst(%dma_wait3A_41 : memref<80x128xi32, #tpu.memory_space<hbm>>)
    %dma_wait3A_42 = arith.constant 0 : i32
    %dma_wait3A_43 = tpu.memref_slice %arg6[%mul3A_2, %dma_wait3A_42] : memref<320000x128xi32, #tpu.memory_space<hbm>> -> memref<80x128xi32, #tpu.memory_space<hbm>>
    %dma_wait3A_44 = arith.constant 0 : i32
    %dma_wait3A_45 = tpu.memref_slice %arg6[%mul3A_2, %dma_wait3A_44] : memref<320000x128xi32, #tpu.memory_space<hbm>> -> memref<80x128xi32, #tpu.memory_space<hbm>>
    tpu.wait_dma2 semaphore(%arg18 : memref<!tpu.dma_semaphore, #tpu.memory_space<semaphore_mem>>) src(%arg14 : memref<80x128xi32, #tpu.memory_space<vmem>>) dst(%dma_wait3A_45 : memref<80x128xi32, #tpu.memory_space<hbm>>)
    return
  }
}

module attributes {stable_mosaic.version = 14 : i64} {
  func.func @_pre_body(%arg0: i32, %arg1: i32, %arg2: memref<1x2000x128xf32, #tpu.memory_space<vmem>>, %arg3: memref<1x2000x128xf32, #tpu.memory_space<vmem>>, %arg4: memref<128x128xf32, #tpu.memory_space<vmem>>, %arg5: memref<128x128xf32, #tpu.memory_space<vmem>>, %arg6: memref<1x128xf32, #tpu.memory_space<vmem>>, %arg7: memref<1x2000x128xi32, #tpu.memory_space<vmem>>, %arg8: memref<1x2000x128xi32, #tpu.memory_space<vmem>>) attributes {dimension_semantics = [#tpu.dimension_semantics<arbitrary>, #tpu.dimension_semantics<arbitrary>], iteration_bounds = array<i64: 2, 5>, scalar_prefetch = 0 : i64, scratch_operands = 0 : i64, tpu.core_type = #tpu.core_type<tc>, window_params = [{transform_indices = @transform_0, window_bounds = array<i64: 1, 2000, 128>}, {transform_indices = @transform_1, window_bounds = array<i64: 1, 2000, 128>}, {pipeline_mode = #tpu.pipeline_mode<synchronous>, transform_indices = @transform_2, window_bounds = array<i64: 128, 128>}, {pipeline_mode = #tpu.pipeline_mode<synchronous>, transform_indices = @transform_3, window_bounds = array<i64: 128, 128>}, {pipeline_mode = #tpu.pipeline_mode<synchronous>, transform_indices = @transform_4, window_bounds = array<i64: 1, 128>}, {transform_indices = @transform_5, window_bounds = array<i64: 1, 2000, 128>}, {transform_indices = @transform_6, window_bounds = array<i64: 1, 2000, 128>}]} {
    %get3A = arith.constant 0 : index
    %get3A_0 = arith.constant 0 : index
    %get3A_1 = arith.constant 0 : index
    %get3A_2 = vector.load %arg2[%get3A, %get3A_0, %get3A_1] : memref<1x2000x128xf32, #tpu.memory_space<vmem>>, vector<1x2000x128xf32>
    %get3A_3 = vector.shape_cast %get3A_2 : vector<1x2000x128xf32> to vector<2000x128xf32>
    %get3A_4 = arith.constant 0 : index
    %get3A_5 = arith.constant 0 : index
    %get3A_6 = arith.constant 0 : index
    %get3A_7 = vector.load %arg3[%get3A_4, %get3A_5, %get3A_6] : memref<1x2000x128xf32, #tpu.memory_space<vmem>>, vector<1x2000x128xf32>
    %get3A_8 = vector.shape_cast %get3A_7 : vector<1x2000x128xf32> to vector<2000x128xf32>
    %get3A_9 = arith.constant 0 : index
    %get3A_10 = arith.constant 0 : index
    %get3A_11 = vector.load %arg4[%get3A_9, %get3A_10] : memref<128x128xf32, #tpu.memory_space<vmem>>, vector<128x128xf32>
    %get3A_12 = arith.constant 0 : index
    %get3A_13 = arith.constant 0 : index
    %get3A_14 = vector.load %arg5[%get3A_12, %get3A_13] : memref<128x128xf32, #tpu.memory_space<vmem>>, vector<128x128xf32>
    %get3A_15 = arith.constant 0 : index
    %get3A_16 = arith.constant 0 : index
    %get3A_17 = vector.load %arg6[%get3A_15, %get3A_16] : memref<1x128xf32, #tpu.memory_space<vmem>>, vector<1x128xf32>
    %dot_general3A = arith.constant dense<0.000000e+00> : vector<2000x128xf32>
    %dot_general3A_18 = tpu.matmul %get3A_3, %get3A_11, %dot_general3A {dimension_numbers = #tpu.dot_dimension_numbers<[1], [0], [0], [1], [0, 0, 1, 1], [], []>, transpose_lhs_hint = false} : vector<2000x128xf32>, vector<128x128xf32>, vector<2000x128xf32> -> vector<2000x128xf32>
    %add3A = vector.broadcast %get3A_17 : vector<1x128xf32> to vector<2000x128xf32>
    %add3A_19 = arith.addf %dot_general3A_18, %add3A : vector<2000x128xf32>
    %dot_general3A_20 = arith.constant dense<0.000000e+00> : vector<2000x128xf32>
    %dot_general3A_21 = tpu.matmul %get3A_8, %get3A_11, %dot_general3A_20 {dimension_numbers = #tpu.dot_dimension_numbers<[1], [0], [0], [1], [0, 0, 1, 1], [], []>, transpose_lhs_hint = false} : vector<2000x128xf32>, vector<128x128xf32>, vector<2000x128xf32> -> vector<2000x128xf32>
    %add3A_22 = vector.broadcast %get3A_17 : vector<1x128xf32> to vector<2000x128xf32>
    %add3A_23 = arith.addf %dot_general3A_21, %add3A_22 : vector<2000x128xf32>
    %dot_general3A_24 = arith.constant dense<0.000000e+00> : vector<2000x128xf32>
    %dot_general3A_25 = tpu.matmul %get3A_3, %get3A_14, %dot_general3A_24 {dimension_numbers = #tpu.dot_dimension_numbers<[1], [0], [0], [1], [0, 0, 1, 1], [], []>, transpose_lhs_hint = false} : vector<2000x128xf32>, vector<128x128xf32>, vector<2000x128xf32> -> vector<2000x128xf32>
    %dot_general3A_26 = arith.constant dense<0.000000e+00> : vector<2000x128xf32>
    %dot_general3A_27 = tpu.matmul %get3A_8, %get3A_14, %dot_general3A_26 {dimension_numbers = #tpu.dot_dimension_numbers<[1], [0], [0], [1], [0, 0, 1, 1], [], []>, transpose_lhs_hint = false} : vector<2000x128xf32>, vector<128x128xf32>, vector<2000x128xf32> -> vector<2000x128xf32>
    %bitcast_convert_type3A = tpu.bitcast %add3A_19 : vector<2000x128xf32> -> vector<2000x128xi32>
    %add3A_28 = arith.constant 32767 : i32
    %add3A_29 = vector.broadcast %add3A_28 : i32 to vector<2000x128xi32>
    %add3A_30 = arith.addi %bitcast_convert_type3A, %add3A_29 : vector<2000x128xi32>
    %shift_right_arithmetic3A = arith.constant 16 : i32
    %shift_right_arithmetic3A_31 = vector.broadcast %shift_right_arithmetic3A : i32 to vector<2000x128xi32>
    %shift_right_arithmetic3A_32 = arith.shrsi %bitcast_convert_type3A, %shift_right_arithmetic3A_31 : vector<2000x128xi32>
    %and3A = arith.constant 1 : i32
    %and3A_33 = vector.broadcast %and3A : i32 to vector<2000x128xi32>
    %and3A_34 = arith.andi %shift_right_arithmetic3A_32, %and3A_33 : vector<2000x128xi32>
    %add3A_35 = arith.addi %add3A_30, %and3A_34 : vector<2000x128xi32>
    %shift_right_arithmetic3A_36 = arith.constant 16 : i32
    %shift_right_arithmetic3A_37 = vector.broadcast %shift_right_arithmetic3A_36 : i32 to vector<2000x128xi32>
    %shift_right_arithmetic3A_38 = arith.shrsi %add3A_35, %shift_right_arithmetic3A_37 : vector<2000x128xi32>
    %and3A_39 = arith.constant 65535 : i32
    %and3A_40 = vector.broadcast %and3A_39 : i32 to vector<2000x128xi32>
    %and3A_41 = arith.andi %shift_right_arithmetic3A_38, %and3A_40 : vector<2000x128xi32>
    %bitcast_convert_type3A_42 = tpu.bitcast %add3A_23 : vector<2000x128xf32> -> vector<2000x128xi32>
    %add3A_43 = arith.constant 32767 : i32
    %add3A_44 = vector.broadcast %add3A_43 : i32 to vector<2000x128xi32>
    %add3A_45 = arith.addi %bitcast_convert_type3A_42, %add3A_44 : vector<2000x128xi32>
    %shift_right_arithmetic3A_46 = arith.constant 16 : i32
    %shift_right_arithmetic3A_47 = vector.broadcast %shift_right_arithmetic3A_46 : i32 to vector<2000x128xi32>
    %shift_right_arithmetic3A_48 = arith.shrsi %bitcast_convert_type3A_42, %shift_right_arithmetic3A_47 : vector<2000x128xi32>
    %and3A_49 = arith.constant 1 : i32
    %and3A_50 = vector.broadcast %and3A_49 : i32 to vector<2000x128xi32>
    %and3A_51 = arith.andi %shift_right_arithmetic3A_48, %and3A_50 : vector<2000x128xi32>
    %add3A_52 = arith.addi %add3A_45, %and3A_51 : vector<2000x128xi32>
    %shift_right_arithmetic3A_53 = arith.constant 16 : i32
    %shift_right_arithmetic3A_54 = vector.broadcast %shift_right_arithmetic3A_53 : i32 to vector<2000x128xi32>
    %shift_right_arithmetic3A_55 = arith.shrsi %add3A_52, %shift_right_arithmetic3A_54 : vector<2000x128xi32>
    %shift_left3A = arith.constant 16 : i32
    %shift_left3A_56 = vector.broadcast %shift_left3A : i32 to vector<2000x128xi32>
    %shift_left3A_57 = arith.shli %shift_right_arithmetic3A_55, %shift_left3A_56 : vector<2000x128xi32>
    %or3A = arith.ori %and3A_41, %shift_left3A_57 : vector<2000x128xi32>
    %swap3A = arith.constant 0 : index
    %swap3A_58 = arith.constant 0 : index
    %swap3A_59 = arith.constant 0 : index
    %swap3A_60 = vector.load %arg7[%swap3A, %swap3A_58, %swap3A_59] : memref<1x2000x128xi32, #tpu.memory_space<vmem>>, vector<1x2000x128xi32>
    %swap3A_61 = vector.shape_cast %swap3A_60 : vector<1x2000x128xi32> to vector<2000x128xi32>
    %swap3A_62 = vector.shape_cast %or3A : vector<2000x128xi32> to vector<1x2000x128xi32>
    tpu.vector_store %arg7[%swap3A, %swap3A_58, %swap3A_59], %swap3A_62 {strides = array<i32>} : memref<1x2000x128xi32, #tpu.memory_space<vmem>>, vector<1x2000x128xi32>,
    %bitcast_convert_type3A_63 = tpu.bitcast %dot_general3A_25 : vector<2000x128xf32> -> vector<2000x128xi32>
    %add3A_64 = arith.constant 32767 : i32
    %add3A_65 = vector.broadcast %add3A_64 : i32 to vector<2000x128xi32>
    %add3A_66 = arith.addi %bitcast_convert_type3A_63, %add3A_65 : vector<2000x128xi32>
    %shift_right_arithmetic3A_67 = arith.constant 16 : i32
    %shift_right_arithmetic3A_68 = vector.broadcast %shift_right_arithmetic3A_67 : i32 to vector<2000x128xi32>
    %shift_right_arithmetic3A_69 = arith.shrsi %bitcast_convert_type3A_63, %shift_right_arithmetic3A_68 : vector<2000x128xi32>
    %and3A_70 = arith.constant 1 : i32
    %and3A_71 = vector.broadcast %and3A_70 : i32 to vector<2000x128xi32>
    %and3A_72 = arith.andi %shift_right_arithmetic3A_69, %and3A_71 : vector<2000x128xi32>
    %add3A_73 = arith.addi %add3A_66, %and3A_72 : vector<2000x128xi32>
    %shift_right_arithmetic3A_74 = arith.constant 16 : i32
    %shift_right_arithmetic3A_75 = vector.broadcast %shift_right_arithmetic3A_74 : i32 to vector<2000x128xi32>
    %shift_right_arithmetic3A_76 = arith.shrsi %add3A_73, %shift_right_arithmetic3A_75 : vector<2000x128xi32>
    %and3A_77 = arith.constant 65535 : i32
    %and3A_78 = vector.broadcast %and3A_77 : i32 to vector<2000x128xi32>
    %and3A_79 = arith.andi %shift_right_arithmetic3A_76, %and3A_78 : vector<2000x128xi32>
    %bitcast_convert_type3A_80 = tpu.bitcast %dot_general3A_27 : vector<2000x128xf32> -> vector<2000x128xi32>
    %add3A_81 = arith.constant 32767 : i32
    %add3A_82 = vector.broadcast %add3A_81 : i32 to vector<2000x128xi32>
    %add3A_83 = arith.addi %bitcast_convert_type3A_80, %add3A_82 : vector<2000x128xi32>
    %shift_right_arithmetic3A_84 = arith.constant 16 : i32
    %shift_right_arithmetic3A_85 = vector.broadcast %shift_right_arithmetic3A_84 : i32 to vector<2000x128xi32>
    %shift_right_arithmetic3A_86 = arith.shrsi %bitcast_convert_type3A_80, %shift_right_arithmetic3A_85 : vector<2000x128xi32>
    %and3A_87 = arith.constant 1 : i32
    %and3A_88 = vector.broadcast %and3A_87 : i32 to vector<2000x128xi32>
    %and3A_89 = arith.andi %shift_right_arithmetic3A_86, %and3A_88 : vector<2000x128xi32>
    %add3A_90 = arith.addi %add3A_83, %and3A_89 : vector<2000x128xi32>
    %shift_right_arithmetic3A_91 = arith.constant 16 : i32
    %shift_right_arithmetic3A_92 = vector.broadcast %shift_right_arithmetic3A_91 : i32 to vector<2000x128xi32>
    %shift_right_arithmetic3A_93 = arith.shrsi %add3A_90, %shift_right_arithmetic3A_92 : vector<2000x128xi32>
    %shift_left3A_94 = arith.constant 16 : i32
    %shift_left3A_95 = vector.broadcast %shift_left3A_94 : i32 to vector<2000x128xi32>
    %shift_left3A_96 = arith.shli %shift_right_arithmetic3A_93, %shift_left3A_95 : vector<2000x128xi32>
    %or3A_97 = arith.ori %and3A_79, %shift_left3A_96 : vector<2000x128xi32>
    %swap3A_98 = arith.constant 0 : index
    %swap3A_99 = arith.constant 0 : index
    %swap3A_100 = arith.constant 0 : index
    %swap3A_101 = vector.load %arg8[%swap3A_98, %swap3A_99, %swap3A_100] : memref<1x2000x128xi32, #tpu.memory_space<vmem>>, vector<1x2000x128xi32>
    %swap3A_102 = vector.shape_cast %swap3A_101 : vector<1x2000x128xi32> to vector<2000x128xi32>
    %swap3A_103 = vector.shape_cast %or3A_97 : vector<2000x128xi32> to vector<1x2000x128xi32>
    tpu.vector_store %arg8[%swap3A_98, %swap3A_99, %swap3A_100], %swap3A_103 {strides = array<i32>} : memref<1x2000x128xi32, #tpu.memory_space<vmem>>, vector<1x2000x128xi32>,
    return
  }
  func.func @transform_0(%arg0: i32, %arg1: i32) -> (i32, i32, i32) {
    %mul3A = arith.constant 2 : i32
    %mul3A_0 = arith.muli %mul3A, %arg0 : i32
    %c0_i32 = arith.constant 0 : i32
    %c0_i32_1 = arith.constant 0 : i32
    return %mul3A_0, %arg1, %c0_i32 : i32, i32, i32
  }
  func.func @transform_1(%arg0: i32, %arg1: i32) -> (i32, i32, i32) {
    %mul3A = arith.constant 2 : i32
    %mul3A_0 = arith.muli %mul3A, %arg0 : i32
    %add3A = arith.constant 1 : i32
    %add3A_1 = arith.addi %mul3A_0, %add3A : i32
    %c0_i32 = arith.constant 0 : i32
    %c0_i32_2 = arith.constant 0 : i32
    return %add3A_1, %arg1, %c0_i32 : i32, i32, i32
  }
  func.func @transform_2(%arg0: i32, %arg1: i32) -> (i32, i32) {
    %c0_i32 = arith.constant 0 : i32
    %c0_i32_0 = arith.constant 0 : i32
    %c0_i32_1 = arith.constant 0 : i32
    return %c0_i32, %c0_i32_0 : i32, i32
  }
  func.func @transform_3(%arg0: i32, %arg1: i32) -> (i32, i32) {
    %c0_i32 = arith.constant 0 : i32
    %c0_i32_0 = arith.constant 0 : i32
    %c0_i32_1 = arith.constant 0 : i32
    return %c0_i32, %c0_i32_0 : i32, i32
  }
  func.func @transform_4(%arg0: i32, %arg1: i32) -> (i32, i32) {
    %c0_i32 = arith.constant 0 : i32
    %c0_i32_0 = arith.constant 0 : i32
    %c0_i32_1 = arith.constant 0 : i32
    return %c0_i32, %c0_i32_0 : i32, i32
  }
  func.func @transform_5(%arg0: i32, %arg1: i32) -> (i32, i32, i32) {
    %c0_i32 = arith.constant 0 : i32
    %c0_i32_0 = arith.constant 0 : i32
    return %arg0, %arg1, %c0_i32 : i32, i32, i32
  }
  func.func @transform_6(%arg0: i32, %arg1: i32) -> (i32, i32, i32) {
    %c0_i32 = arith.constant 0 : i32
    %c0_i32_0 = arith.constant 0 : i32
    return %arg0, %arg1, %c0_i32 : i32, i32, i32
  }
}

module attributes {stable_mosaic.version = 14 : i64} {
  func.func @_mm_body(%arg0: i32, %arg1: memref<2000x128xi32, #tpu.memory_space<vmem>>, %arg2: memref<128x128xbf16, #tpu.memory_space<vmem>>, %arg3: memref<1x128xf32, #tpu.memory_space<vmem>>, %arg4: memref<2000x128xf32, #tpu.memory_space<vmem>>, %arg5: memref<2000x128xf32, #tpu.memory_space<vmem>>) attributes {dimension_semantics = [#tpu.dimension_semantics<arbitrary>], iteration_bounds = array<i64: 160>, scalar_prefetch = 0 : i64, scratch_operands = 0 : i64, tpu.core_type = #tpu.core_type<tc>, window_params = [{transform_indices = @transform_0, window_bounds = array<i64: 2000, 128>}, {pipeline_mode = #tpu.pipeline_mode<synchronous>, transform_indices = @transform_1, window_bounds = array<i64: 128, 128>}, {pipeline_mode = #tpu.pipeline_mode<synchronous>, transform_indices = @transform_2, window_bounds = array<i64: 1, 128>}, {transform_indices = @transform_3, window_bounds = array<i64: 2000, 128>}, {transform_indices = @transform_4, window_bounds = array<i64: 2000, 128>}]} {
    %get3A = arith.constant 0 : index
    %get3A_0 = arith.constant 0 : index
    %get3A_1 = vector.load %arg2[%get3A, %get3A_0] : memref<128x128xbf16, #tpu.memory_space<vmem>>, vector<128x128xbf16>
    %get3A_2 = arith.constant 0 : index
    %get3A_3 = arith.constant 0 : index
    %get3A_4 = vector.load %arg3[%get3A_2, %get3A_3] : memref<1x128xf32, #tpu.memory_space<vmem>>, vector<1x128xf32>
    %get3A_5 = arith.constant 0 : index
    %get3A_6 = arith.constant 0 : index
    %get3A_7 = vector.load %arg1[%get3A_5, %get3A_6] : memref<2000x128xi32, #tpu.memory_space<vmem>>, vector<2000x128xi32>
    %shift_left3A = arith.constant 16 : i32
    %shift_left3A_8 = vector.broadcast %shift_left3A : i32 to vector<2000x128xi32>
    %shift_left3A_9 = arith.shli %get3A_7, %shift_left3A_8 : vector<2000x128xi32>
    %bitcast_convert_type3A = tpu.bitcast %shift_left3A_9 : vector<2000x128xi32> -> vector<2000x128xf32>
    %and3A = arith.constant -65536 : i32
    %and3A_10 = vector.broadcast %and3A : i32 to vector<2000x128xi32>
    %and3A_11 = arith.andi %get3A_7, %and3A_10 : vector<2000x128xi32>
    %bitcast_convert_type3A_12 = tpu.bitcast %and3A_11 : vector<2000x128xi32> -> vector<2000x128xf32>
    %max3A = arith.constant 0.000000e+00 : f32
    %max3A_13 = vector.broadcast %max3A : f32 to vector<2000x128xf32>
    %max3A_14 = arith.maximumf %bitcast_convert_type3A, %max3A_13 : vector<2000x128xf32>
    %convert_element_type3A = arith.truncf %max3A_14 : vector<2000x128xf32> to vector<2000x128xbf16>
    %max3A_15 = arith.constant 0.000000e+00 : f32
    %max3A_16 = vector.broadcast %max3A_15 : f32 to vector<2000x128xf32>
    %max3A_17 = arith.maximumf %bitcast_convert_type3A_12, %max3A_16 : vector<2000x128xf32>
    %convert_element_type3A_18 = arith.truncf %max3A_17 : vector<2000x128xf32> to vector<2000x128xbf16>
    %dot_general3A = arith.constant dense<0.000000e+00> : vector<2000x128xf32>
    %dot_general3A_19 = tpu.matmul %convert_element_type3A, %get3A_1, %dot_general3A {dimension_numbers = #tpu.dot_dimension_numbers<[1], [0], [0], [1], [0, 0, 1, 1], [], []>, transpose_lhs_hint = false} : vector<2000x128xbf16>, vector<128x128xbf16>, vector<2000x128xf32> -> vector<2000x128xf32>
    %add3A = vector.broadcast %get3A_4 : vector<1x128xf32> to vector<2000x128xf32>
    %add3A_20 = arith.addf %dot_general3A_19, %add3A : vector<2000x128xf32>
    %swap3A = arith.constant 0 : index
    %swap3A_21 = arith.constant 0 : index
    %swap3A_22 = vector.load %arg4[%swap3A, %swap3A_21] : memref<2000x128xf32, #tpu.memory_space<vmem>>, vector<2000x128xf32>
    tpu.vector_store %arg4[%swap3A, %swap3A_21], %add3A_20 {strides = array<i32>} : memref<2000x128xf32, #tpu.memory_space<vmem>>, vector<2000x128xf32>,
    %dot_general3A_23 = arith.constant dense<0.000000e+00> : vector<2000x128xf32>
    %dot_general3A_24 = tpu.matmul %convert_element_type3A_18, %get3A_1, %dot_general3A_23 {dimension_numbers = #tpu.dot_dimension_numbers<[1], [0], [0], [1], [0, 0, 1, 1], [], []>, transpose_lhs_hint = false} : vector<2000x128xbf16>, vector<128x128xbf16>, vector<2000x128xf32> -> vector<2000x128xf32>
    %add3A_25 = vector.broadcast %get3A_4 : vector<1x128xf32> to vector<2000x128xf32>
    %add3A_26 = arith.addf %dot_general3A_24, %add3A_25 : vector<2000x128xf32>
    %swap3A_27 = arith.constant 0 : index
    %swap3A_28 = arith.constant 0 : index
    %swap3A_29 = vector.load %arg5[%swap3A_27, %swap3A_28] : memref<2000x128xf32, #tpu.memory_space<vmem>>, vector<2000x128xf32>
    tpu.vector_store %arg5[%swap3A_27, %swap3A_28], %add3A_26 {strides = array<i32>} : memref<2000x128xf32, #tpu.memory_space<vmem>>, vector<2000x128xf32>,
    return
  }
  func.func @transform_0(%arg0: i32) -> (i32, i32) {
    %c0_i32 = arith.constant 0 : i32
    %c0_i32_0 = arith.constant 0 : i32
    return %arg0, %c0_i32 : i32, i32
  }
  func.func @transform_1(%arg0: i32) -> (i32, i32) {
    %c0_i32 = arith.constant 0 : i32
    %c0_i32_0 = arith.constant 0 : i32
    %c0_i32_1 = arith.constant 0 : i32
    return %c0_i32, %c0_i32_0 : i32, i32
  }
  func.func @transform_2(%arg0: i32) -> (i32, i32) {
    %c0_i32 = arith.constant 0 : i32
    %c0_i32_0 = arith.constant 0 : i32
    %c0_i32_1 = arith.constant 0 : i32
    return %c0_i32, %c0_i32_0 : i32, i32
  }
  func.func @transform_3(%arg0: i32) -> (i32, i32) {
    %c0_i32 = arith.constant 0 : i32
    %c0_i32_0 = arith.constant 0 : i32
    return %arg0, %c0_i32 : i32, i32
  }
  func.func @transform_4(%arg0: i32) -> (i32, i32) {
    %c0_i32 = arith.constant 0 : i32
    %c0_i32_0 = arith.constant 0 : i32
    return %arg0, %c0_i32 : i32, i32
  }
}

</mosaic_0001>

<sc_bundles>
// kernel: kernel.10.cloned.1.call-start
scs
__scs_entry_jumppad:
0x0: {  	(pc) =	sbr.rel $0x88, $3  }
0x1: {  	(tag) =	ssettag $0x0;
	lr =	simm.s32 $0x1  }
0x2: {  	[smem:$0x3F9B] =	sst lr;
	_ =	strace $0xD0000000  }
0x3: {  	_ = 	snop  }
0x4: {  	_ = 	snop  }
0x5: {  	_ = 	snop  }
0x6: {  	_ = 	snop  }
0x7: {  	_ = 	snop  }
__scs_overlays_trampoline_lowered:
0x8: {  	[smem:$0x3FAA] =	sst s0  }
0x9: {  	[smem:$0x3FAB] =	sst s1  }
0xa: {  	[smem:$0x3FAC] =	sst s2  }
0xb: {  	[smem:$0x3FAD] =	sst s3  }
0xc: {  	[smem:$0x3FAE] =	sst s4  }
0xd: {  	[smem:$0x3FAF] =	sst s5  }
0xe: {  	[smem:$0x3FB0] =	sst s6  }
0xf: {  	[smem:$0x3FB1] =	sst s7  }
0x10: {  	[smem:$0x3FB2] =	sst s8  }
0x11: {  	[smem:$0x3FB3] =	sst s9;
	s0 =	simm.s32 @!p0 $0x0  }
0x12: {  	s1 =	sld [smem:$0x3F99];
	s0 =	simm.s32 @p0 $0x1  }
0x13: {  	[smem:$0x3FB4] =	sst s0;
	s0 =	simm.s32 @!p1 $0x0  }
0x14: {  	s2 =	sld [smem:$0x3F98];
	s0 =	simm.s32 @p1 $0x1  }
0x15: {  	[smem:$0x3FB5] =	sst s0;
	s0 =	simm.s32 @!p2 $0x0  }
0x16: {  	s3 =	sld [smem:$0x3FDB];
	s0 =	simm.s32 @p2 $0x1  }
0x17: {  	s4 =	simm.s32 $0x1BF5;
	[smem:$0x3FB7] =	sst s0  }
0x18: {  	s0 =	sld [smem:$0x3F9A];
	_ =	swait.ge [sflag:s4], $0x0  }
0x19: {  	s7 =	sld [smem:$0x3F9B]  }
0x1a: {  	s8 =	sadd.s32 $0xFFFFE003, lr  }
0x1b: {  	s9 =	sadd.s32 $0xFFFFFEF7, lr;
	s5 =	simm.s32 $0xFFFFFFFF;
	p2 =	slt.u32 s8, $0xFFFFF086  }
0x1c: {  	p1 =	slt.u32 s9, $0xF7A;
	s5 =	simm.s32 @!p2 $0x0  }
0x1d: {  	s5 =	simm.s32 @p1 $0x1;
	p0 =	seq.s32 s7, s2  }
0x1e: {  	s7 =	smul.u32 @!p0 $0xF7A, s2;
	p2 =	seq.s32 @!p0 s5, $0x0  }
0x1f: {  	s9 =	smul.u32 $0xF7A, s1;
	s8 =	simm.s32 @!p0 $0x1BF5;
	p2 =	por !p2, p0  }
0x20: {  	[sflag:s8] =	ssyncset.s32 @!p0 $0xFFFFF086;
	s6 =	sadd.s32 @!p0 s3, s7;
	s7 =	simm.s32 @!p0 $0x108  }
0x21: {  	s3 =	sadd.s32 s3, s9;
	s6 =	sadd.s32 @!p0 $0x88, s6;
	s7 =	simm.s32 @p2 $0x1082  }
0x22: {  	[simem:s7], [sflag:s8] =	dma.local @!p0 [hbm:s6], $0xF7A  }
0x23: {  	s9 =	sor.u32 $0xD0000000, s2;
	s6 =	simm.s32 $0x108;
	_ =	swait.ge @!p0 [sflag:s8], $0x0  }
0x24: {  	s3 =	sadd.s32 $0x88, s3;
	s6 =	simm.s32 @!p1 $0x1082;
	[sflag:s4] =	ssyncset.s32 $0xFFFFF086  }
0x25: {  	[simem:s6], [sflag:s4] =	dma.local [hbm:s3], $0xF7A  }
0x26: {  	[smem:$0x3F9B] =	sst s1;
	(tag) =	ssettag s2;
	_ =	strace s9  }
0x27: {  	s1 =	sld [smem:$0x3FAB]  }
0x28: {  	s2 =	sld [smem:$0x3FAC]  }
0x29: {  	s4 =	sld [smem:$0x3FAE]  }
0x2a: {  	p0 =	seq.s32 s5, $0x0;
	s5 =	sld [smem:$0x3FAF]  }
0x2b: {  	s6 =	sld [smem:$0x3FB0]  }
0x2c: {  	s7 =	sld [smem:$0x3FB1]  }
0x2d: {  	s3 =	simm.s32 $0x108;
	s8 =	sld [smem:$0x3FB2]  }
0x2e: {  	s3 =	simm.s32 @!p0 $0x1082;
	s9 =	sld [smem:$0x3FB3]  }
0x2f: {  	lr =	sadd.s32 s0, s3;
	s0 =	sld [smem:$0x3FAA]  }
0x30: {  	s3 =	sld [smem:$0x3FAD]  }
0x31: {  	[smem:$0x3FB6] =	sst s10  }
0x32: {  	s10 =	sld [smem:$0x3FB4];
	_ =	sdelay $0x3  }
0x33: {  	p0 =	seq.s32 s10, $0x1;
	s10 =	sld [smem:$0x3FB6];
	_ =	sdelay $0x3  }
0x34: {  	[smem:$0x3FB6] =	sst s10  }
0x35: {  	s10 =	sld [smem:$0x3FB5];
	_ =	sdelay $0x3  }
0x36: {  	p1 =	seq.s32 s10, $0x1;
	s10 =	sld [smem:$0x3FB6];
	_ =	sdelay $0x3  }
0x37: {  	[smem:$0x3FB6] =	sst s10  }
0x38: {  	s10 =	sld [smem:$0x3FB7]  }
0x39: {  	_ = 	snop;
	(pc) =	sbr.ind lr, $3  }
0x3a: {  	_ = 	snop  }
0x3b: {  	_ = 	snop  }
0x3c: {  	p2 =	seq.s32 s10, $0x1;
	s10 =	sld [smem:$0x3FB6]  }
0x3d: {  	_ =	shalt  }
0x3e: {  	_ =	shalt  }
0x3f: {  	_ =	shalt  }
0x40: {  	_ =	shalt  }
0x41: {  	_ =	shalt  }
0x42: {  	_ =	shalt  }
0x43: {  	_ =	shalt  }
0x44: {  	_ =	shalt  }
0x45: {  	_ =	shalt  }
0x46: {  	_ =	shalt  }
0x47: {  	_ =	shalt  }
0x48: {  	_ =	shalt  }
0x49: {  	_ =	shalt  }
0x4a: {  	_ =	shalt  }
0x4b: {  	_ =	shalt  }
0x4c: {  	_ =	shalt  }
0x4d: {  	_ =	shalt  }
0x4e: {  	_ =	shalt  }
0x4f: {  	_ =	shalt  }
0x50: {  	_ =	shalt  }
0x51: {  	_ =	shalt  }
0x52: {  	_ =	shalt  }
0x53: {  	_ =	shalt  }
0x54: {  	_ =	shalt  }
0x55: {  	_ =	shalt  }
0x56: {  	_ =	shalt  }
0x57: {  	_ =	shalt  }
0x58: {  	_ =	shalt  }
0x59: {  	_ =	shalt  }
0x5a: {  	_ =	shalt  }
0x5b: {  	_ =	shalt  }
0x5c: {  	_ =	shalt  }
0x5d: {  	_ =	shalt  }
0x5e: {  	_ =	shalt  }
0x5f: {  	_ =	shalt  }
0x60: {  	_ =	shalt  }
0x61: {  	_ =	shalt  }
0x62: {  	_ =	shalt  }
0x63: {  	_ =	shalt  }
0x64: {  	_ =	shalt  }
0x65: {  	_ =	shalt  }
0x66: {  	_ =	shalt  }
0x67: {  	_ =	shalt  }
0x68: {  	_ =	shalt  }
0x69: {  	_ =	shalt  }
0x6a: {  	_ =	shalt  }
0x6b: {  	_ =	shalt  }
0x6c: {  	_ =	shalt  }
0x6d: {  	_ =	shalt  }
0x6e: {  	_ =	shalt  }
0x6f: {  	_ =	shalt  }
0x70: {  	_ =	shalt  }
0x71: {  	_ =	shalt  }
0x72: {  	_ =	shalt  }
0x73: {  	_ =	shalt  }
0x74: {  	_ =	shalt  }
0x75: {  	_ =	shalt  }
0x76: {  	_ =	shalt  }
0x77: {  	_ =	shalt  }
0x78: {  	_ =	shalt  }
0x79: {  	_ =	shalt  }
0x7a: {  	_ =	shalt  }
0x7b: {  	_ =	shalt  }
0x7c: {  	_ =	shalt  }
0x7d: {  	_ =	shalt  }
0x7e: {  	_ =	shalt  }
0x7f: {  	_ =	shalt  }
0x80: {  	_ =	shalt  }
0x81: {  	_ =	shalt  }
0x82: {  	_ =	shalt  }
0x83: {  	_ =	shalt  }
0x84: {  	_ =	shalt  }
0x85: {  	_ =	shalt  }
0x86: {  	_ =	shalt  }
0x87: {  	_ =	shalt  }
.Lfunc_end0:
.L_simem_size_0:
called_computation.1_lowered:
.L_overlay_start_0:
0x88: {  	s2 =	sld [smem:$0x3FD9]  }
0x89: {  	s3 =	sld [smem:$0x3FFE];
	_ =	sdelay $0x1  }
0x8a: {  	s1 =	srdreg.scid  }
0x8b: {  	s0 =	sand.u32 $0x1, s1  }
0x8c: {  	s14 =	sshll.u32 s0, $0xA;
	s2 =	sadd.s32 s3, s2  }
0x8d: {  	s2 =	sadd.s32 s2, s14  }
0x8e: {  	[smem:$0x3FC2] =	sst s2  }
0x8f: {  	_ = 	snop  }
0x90: {  	s2 =	sld [smem:$0x3FD0];
	_ =	sdelay $0x2  }
0x91: {  	s15 =	simm.s32 $0xB;
	s4 =	simm.s32 $0x10  }
0x92: {  	[smem:s4], [sflag:s15] =	dma.local [hbm:s2], $0x1  }
0x93: {  	_ =	swait.eq [sflag:s15], $0x1  }
0x94: {  	s16 =	sld [smem:$0x11];
	[sflag:s15] =	ssyncset.done $0x0  }
0x95: {  	s17 =	sld [smem:$0x12];
	[sflag:s15] =	ssyncadd.s32 $0xFFFFFFFF  }
0x96: {  	s18 =	sld [smem:$0x13];
	(tm) =	ssettm $0x1  }
0x97: {  	s5 =	sld [smem:$0x3FFB];
	_ =	sdelay $0x3  }
0x98: {  	_ =	strace s5  }
0x99: {  	s5 =	sld [smem:$0x3FFC];
	_ =	sdelay $0x3  }
0x9a: {  	_ =	strace s5  }
0x9b: {  	s5 =	sld [smem:$0x3FFD];
	_ =	sdelay $0x3  }
0x9c: {  	_ =	strace s5  }
0x9d: {  	_ =	strace $0x8FFFFFFF  }
0x9e: {  	s19 =	sld [smem:$0x3FDB];
	_ =	sdelay $0x1  }
0x9f: {  	s6 =	simm.s32 $_scs_section_size  }
0xa0: {  	s7 =	simm.s32 $_size__tile_overlayer_lowered;
	s8 =	simm.s32 $_tile_overlayer_lowered  }
0xa1: {  	s22 =	simm.s32 $0x1BFF;
	s21 =	sshll.u32 s8, $0x1;
	s5 =	sadd.s32 s6, s19  }
0xa2: {  	s9 =	simm.s32 $0x0;
	s20 =	sshll.u32 s7, $0x1;
	s7 =	sadd.s32 s21, s5  }
0xa3: {  	[timem:s9], [sflag:s22] =	dma.local [hbm:s7], s20  }
0xa4: {  	_ =	swait.ge [sflag:s22], s20  }
0xa5: {  	s6 =	ssub.s32 $0x0, s20;
	[sflag:s22] =	ssyncset.done $0x0  }
0xa6: {  	[sflag:s22] =	ssyncadd.s32 s6;
	_ =	sdelay $0x1  }
0xa7: {  	s23 =	simm.s32 $0x1B8B  }
0xa8: {  	_ =	swait.ge [sflag:s23], $0x1  }
0xa9: {  	[sflag:s23] =	ssyncset.done $0x0  }
0xaa: {  	s25 =	simm.s32 $0x1B8E;
	s24 =	sld [smem:$0x3FFE];
	[sflag:s23] =	ssyncadd.s32 $0xFFFFFFFF  }
0xab: {  	s26 =	simm.s32 $execute0_lowered;
	[smem:$0x3FD2] =	sst s25  }
0xac: {  	s7 =	sshll.u32 s26, $0x1;
	_ =	strace $0x80000046;
	[dreg:$0x1] =	wrdreg $0xFFFFFFFF  }
0xad: {  	s28 =	simm.s32 $_size_execute0_lowered;
	s5 =	sadd.s32 s5, s7;
	[dreg:$0x0] =	wrdreg $0x0  }
0xae: {  	s7 =	sshll.u32 s28, $0x1;
	[dreg:$0x2] =	wrdreg s5  }
0xaf: {  	[dreg:$0x3] =	wrdreg s7  }
0xb0: {  	[dreg:$0x4] =	wrdreg $0xC0  }
0xb1: {  	_ =	task [dreg:s9], $0x5FFFF  }
0xb2: {  	[dreg:$0x1] =	wrdreg $0xFFFFFFFF  }
0xb3: {  	[dreg:$0x0] =	wrdreg $0x60  }
0xb4: {  	[dreg:$0x2] =	wrdreg s17  }
0xb5: {  	[dreg:$0x3] =	wrdreg s18  }
0xb6: {  	[dreg:$0x4] =	wrdreg s24  }
0xb7: {  	[dreg:$0x5] =	wrdreg s16  }
0xb8: {  	[dreg:$0x6] =	wrdreg $0xA  }
0xb9: {  	_ =	task.clear_ibuf [dreg:s9], $0x7FFFF;
	_ =	strace $0x90000046  }
0xba: {  	s29 =	simm.s32 $0xA;
	_ =	strace $0x80000048  }
0xbb: {  	_ =	swait.ge [sflag:s29], $0x1  }
0xbc: {  	[sflag:s29] =	ssyncadd.s32 $0xFFFFFFFF  }
0xbd: {  	_ =	strace $0x90000048  }
0xbe: {  	_ =	sfence  }
0xbf: {  	s30 =	sld [smem:$0x0];
	_ =	sdelay $0x2  }
0xc0: {  	s31 =	sshll.u32 s1, $0xD;
	s1 =	sshrl.u32 s1, $0x2  }
0xc1: {  	s3 =	sand.u32 $0x4000, s31;
	s1 =	sadd.s32 s1, s30  }
0xc2: {  	s0 =	sor.u32 s3, s0;
	s1 =	sshll.u32 s1, $0x11  }
0xc3: {  	s0 =	sor.u32 s1, s0  }
0xc4: {  	s0 =	sadd.s32 $0x8F2B, s0  }
0xc5: {  	[sflag:s0] =	ssyncadd.remote.s32 $0x1  }
0xc6: {  	_ =	sfence.sel $0xFFFF  }
0xc7: {  	[dreg:$0x0] =	wrdreg $0xFFFFFFFF;
	(pc) =	sbr.abs _section_cstart, $3  }
0xc8: {  	[dreg:$0x1] =	wrdreg $0xFFFFFFFF  }
0xc9: {  	_ =	task.clear_ibuf [dreg:s9], $0x2FFFF;
	_ =	strace $0x9FFFFFFF  }
0xca: {  	(tm) =	ssettm $0x7FFFFFFF  }
0xcb: {  	_ =	shalt  }
tec
execute0_lowered:
.L_overlay_start_1:
0x0: {  	(tag) =	ssettag $0x1  }
0x1: {  	s1 =	rddreg [dreg:$0x0]  }
0x2: {  	s2 =	rddreg [dreg:$0x1]  }
0x3: {  	s3 =	srdreg.scid;
	s7 =	rddreg [dreg:$0x2]  }
0x4: {  	s0 =	stileid.u32;
	s4 =	rddreg [dreg:$0x3];
	s5 =	simm.s32 $0x0  }
0x5: {  	s12 =	simm.s32 $0x2780;
	s13 =	simm.s32 $0x50;
	s14 =	simm.s32 $0x4F00  }
0x6: {  	s15 =	simm.s32 $0x9F00;
	s16 =	simm.s32 $0x7700;
	s17 =	simm.s32 $0xC700  }
0x7: {  	s18 =	simm.s32 $0x1;
	s19 =	simm.s32 $0xEF00;
	s20 =	simm.s32 $0x3  }
0x8: {  	s21 =	simm.s32 $0x2;
	s8 =	sand.u32 $0x1, s3;
	s31 =	sshll.u32 s0, $0x1  }
0x9: {  	s22 =	simm.s32 $0x11700;
	s23 =	simm.s32 $0x4;
	s9 =	sor.u32 s8, s31  }
0xa: {  	s24 =	simm.s32 $0x0;
	s3 =	rddreg [dreg:$0x4];
	s6 =	smul.u32 $0x2710, s9  }
0xb: {  	[smem:$0x7FF] =	sst s5;
	s8 =	ssub.s32 $0x2, s8;
	s9 =	smul.u32 $0x138800, s9  }
0xc: {  	_ =	strace $0x80000047;
	s11 =	sshrl.u32 s8, $0x1;
	s10 =	sshrl.u32 s6, $0x3  }
0xd: {  	s11 =	ssub.s32 s8, s11;
	s9 =	sshrl.u32 s9, $0x3;
	s10 =	sadd.s32 s10, s7  }
0xe: {  	s9 =	sadd.s32 s4, s9;
	s7 =	sadd.s32 $0xAE00, s10;
	s8 =	sadd.s32 $0x1000, s10  }
0xf: {  	s9 =	sadd.s32 $0x26C00, s9;
	s10 =	smax.u32 s11, $0x1;
	s11 =	simm.s32 $0x5  }
.LBB2_1:
0x10: {  	[tilespmem:s5], [sflag:$0x5] =	stream.linear.gather [hbm4b:s7+s5], $0x2710, $0x38;
	[tilespmem:$0x13F00] =	vst v63  }
0x11: {  	_ =	swait.ge [sflag:s11], $0x2710  }
0x12: {  	[sflag:s11] =	ssyncset.done $0x0  }
0x13: {  	[sflag:s11] =	ssyncadd.s32 $0xFFFFD8F0  }
0x14: {  	[tilespmem:s12], [sflag:$0x5] =	stream.linear.gather [hbm4b:s8+s5], $0x2710, $0x38;
	[tilespmem:$0x13F00] =	vst v63  }
0x15: {  	_ =	swait.ge [sflag:s11], $0x2710  }
0x16: {  	[sflag:s11] =	ssyncset.done $0x0  }
0x17: {  	[sflag:s11] =	ssyncadd.s32 $0xFFFFD8F0  }
0x18: {  	[tilespmem:s14], [sflag:$0x1] =	stream.indirect.gather [hbm4b:s1+s13], $0x80, s5, s13, $0xb8;
	[tilespmem:$0x13F00] =	vst v63  }
0x19: {  	s25 =	simm.s32 $0x0  }
0x1a: {  	[tilespmem:s15], [sflag:$0x1] =	stream.indirect.gather [hbm4b:s2+s13], $0x80, s12, s13, $0xb8;
	[tilespmem:$0x13F00] =	vst v63  }
.LBB2_2:
0x1b: {  	p0 =	seq.s32 s25, $0x0  }
0x1c: {  	s26 =	simm.s32 @!p0 $0x4  }
0x1d: {  	s28 =	smul.u32 $0xA0, s25;
	_ =	swait.ge @!p0 [sflag:s26], $0x2800  }
0x1e: {  	[sflag:s26] =	ssyncset.done @!p0 $0x0  }
0x1f: {  	[sflag:s26] =	ssyncadd.s32 @!p0 $0xFFFFD800;
	s26 =	sadd.s32 $0x50, s28  }
0x20: {  	[tilespmem:s16], [sflag:$0x2] =	stream.indirect.gather [hbm4b:s1+s13], $0x80, s26, s13, $0xb8;
	[tilespmem:$0x13F00] =	vst v63  }
0x21: {  	s29 =	sadd.s32 $0x27D0, s28  }
0x22: {  	[tilespmem:s17], [sflag:$0x2] =	stream.indirect.gather [hbm4b:s2+s13], $0x80, s29, s13, $0xb8;
	[tilespmem:$0x13F00] =	vst v63  }
0x23: {  	_ =	swait.ge [sflag:s18], $0x2800  }
0x24: {  	[sflag:s18] =	ssyncset.done $0x0  }
0x25: {  	[sflag:s18] =	ssyncadd.s32 $0xFFFFD800  }
0x26: {  	_ =	swait.ge [sflag:s18], $0x2800  }
0x27: {  	[sflag:s18] =	ssyncset.done $0x0  }
0x28: {  	s29 =	simm.s32 $0x0;
	[sflag:s18] =	ssyncadd.s32 $0xFFFFD800  }
0x29: {  	v0 =	vld [tilespmem:s29+$0x4F70]  }
0x2a: {  	v1 =	vld [tilespmem:s29+$0x9F70]  }
0x2b: {  	v2 =	vld [tilespmem:s29+$0x4F00]  }
0x2c: {  	v3 =	vld [tilespmem:s29+$0x9F00]  }
0x2d: {  	v4 =	vld [tilespmem:s29+$0x4F10]  }
0x2e: {  	v5 =	vld [tilespmem:s29+$0x9F10]  }
0x2f: {  	v6 =	vld [tilespmem:s29+$0x4F20]  }
0x30: {  	v7 =	vld [tilespmem:s29+$0x4F30]  }
0x31: {  	v0 =	vadd.bf16 v1, v0;
	v1 =	vld [tilespmem:s29+$0x9F20]  }
0x32: {  	v8 =	vld [tilespmem:s29+$0x9F30]  }
0x33: {  	v9 =	vld [tilespmem:s29+$0x9F40];
	v2 =	vadd.bf16 v3, v2  }
0x34: {  	[tilespmem:s29+$0xEF70] =	vst v0;
	v0 =	vadd.bf16 v5, v4;
	v5 =	vld [tilespmem:s29+$0x4F40]  }
0x35: {  	v3 =	vld [tilespmem:s29+$0x9F50];
	[tilespmem:s29+$0xEF00] =	vst v2  }
0x36: {  	v2 =	vld [tilespmem:s29+$0x4F50];
	[tilespmem:s29+$0xEF10] =	vst v0;
	v0 =	vadd.bf16 v1, v6  }
0x37: {  	v4 =	vld [tilespmem:s29+$0x9F60];
	v6 =	vadd.bf16 v8, v7  }
0x38: {  	s30 =	simm.s32 $0x80;
	[tilespmem:s29+$0xEF20] =	vst v0;
	v0 =	vld [tilespmem:s29+$0x4F60]  }
0x39: {  	s31 =	simm.s32 $0x400;
	v5 =	vadd.bf16 v9, v5;
	v1 =	vld [tilespmem:s30+$0x4F70];
	[tilespmem:s29+$0xEF30] =	vst v6  }
.LBB2_3:
0x3a: {  	p0 =	sne.s32 s31, $0x9E00;
	v6 =	vld [tilespmem:s30+$0x9F70]  }
0x3b: {  	v7 =	vld [tilespmem:s30+$0x4F00];
	[tilespmem:s29+$0xEF40] =	vst v5;
	v2 =	vadd.bf16 v3, v2  }
0x3c: {  	v3 =	vld [tilespmem:s30+$0x9F00]  }
0x3d: {  	v5 =	vld [tilespmem:s30+$0x4F10];
	[tilespmem:s29+$0xEF50] =	vst v2;
	v0 =	vadd.bf16 v4, v0  }
0x3e: {  	v2 =	vld [tilespmem:s30+$0x9F10]  }
0x3f: {  	v4 =	vld [tilespmem:s30+$0x4F20];
	v1 =	vadd.bf16 v6, v1;
	[tilespmem:s29+$0xEF60] =	vst v0;
	s29 =	smov.u32 s30  }
0x40: {  	v0 =	vld [tilespmem:s29+$0x9F20]  }
0x41: {  	v3 =	vadd.bf16 v3, v7;
	v6 =	vld [tilespmem:s29+$0x4F30];
	[tilespmem:s29+$0xEF70] =	vst v1  }
0x42: {  	v1 =	vld [tilespmem:s29+$0x9F30]  }
0x43: {  	[tilespmem:s29+$0xEF00] =	vst v3;
	v2 =	vadd.bf16 v2, v5;
	v5 =	vld [tilespmem:s29+$0x4F40]  }
0x44: {  	v7 =	vld [tilespmem:s29+$0x9F40]  }
.Ltmp0:
0x45: {  	[tilespmem:s29+$0xEF10] =	vst v2;
	v0 =	vadd.bf16 v0, v4;
	v2 =	vld [tilespmem:s29+$0x4F50];
	(pc) =	sbr.rel @p0 .LBB2_3-.Ltmp0, $4  }
0x46: {  	v3 =	vld [tilespmem:s29+$0x9F50]  }
0x47: {  	[tilespmem:s29+$0xEF20] =	vst v0;
	v6 =	vadd.bf16 v1, v6;
	v0 =	vld [tilespmem:s29+$0x4F60]  }
0x48: {  	s30 =	sshra.s32 s31, $0x2;
	v4 =	vld [tilespmem:s29+$0x9F60]  }
0x49: {  	s31 =	sadd.s32 $0x200, s31;
	v1 =	vld [tilespmem:s30+$0x4F70];
	[tilespmem:s29+$0xEF30] =	vst v6;
	v5 =	vadd.bf16 v7, v5  }
0x4a: {  	v6 =	vld [tilespmem:s30+$0x9F70]  }
0x4b: {  	v7 =	vld [tilespmem:s30+$0x4F00];
	[tilespmem:s29+$0xEF40] =	vst v5;
	v2 =	vadd.bf16 v3, v2  }
0x4c: {  	v3 =	vld [tilespmem:s30+$0x9F00]  }
0x4d: {  	v5 =	vld [tilespmem:s30+$0x4F10];
	[tilespmem:s29+$0xEF50] =	vst v2;
	v0 =	vadd.bf16 v4, v0  }
0x4e: {  	v2 =	vld [tilespmem:s30+$0x9F10]  }
0x4f: {  	v4 =	vld [tilespmem:s30+$0x4F20];
	[tilespmem:s29+$0xEF60] =	vst v0  }
0x50: {  	v0 =	vadd.bf16 v6, v1;
	v1 =	vld [tilespmem:s30+$0x9F20]  }
0x51: {  	v6 =	vld [tilespmem:s30+$0x4F30]  }
0x52: {  	v3 =	vadd.bf16 v3, v7;
	[tilespmem:s30+$0xEF70] =	vst v0;
	v0 =	vld [tilespmem:s30+$0x9F30]  }
0x53: {  	v7 =	vld [tilespmem:s30+$0x9F60]  }
0x54: {  	[tilespmem:s30+$0xEF00] =	vst v3;
	v2 =	vadd.bf16 v2, v5;
	v3 =	vld [tilespmem:s30+$0x4F40]  }
0x55: {  	v5 =	vld [tilespmem:s30+$0x9F40]  }
0x56: {  	[tilespmem:s30+$0xEF10] =	vst v2;
	v1 =	vadd.bf16 v1, v4;
	v2 =	vld [tilespmem:s30+$0x4F50]  }
0x57: {  	v4 =	vld [tilespmem:s30+$0x9F50]  }
0x58: {  	[tilespmem:s30+$0xEF20] =	vst v1;
	v1 =	vld [tilespmem:s30+$0x4F60];
	_ =	sdelay $0x1  }
0x59: {  	v0 =	vadd.bf16 v0, v6  }
0x5a: {  	v3 =	vadd.bf16 v5, v3  }
0x5b: {  	[tilespmem:s30+$0xEF30] =	vst v0;
	v0 =	vadd.bf16 v4, v2  }
0x5c: {  	s29 =	sadd.s32 s6, s28;
	[tilespmem:s30+$0xEF40] =	vst v3;
	v1 =	vadd.bf16 v7, v1  }
0x5d: {  	s29 =	sshll.u32 s29, $0x4;
	[tilespmem:s30+$0xEF50] =	vst v0  }
0x5e: {  	s29 =	sadd.s32 s4, s29;
	[tilespmem:s30+$0xEF60] =	vst v1;
	s30 =	simm.s32 $0x0  }
0x5f: {  	[hbm4b:s29+s30] =	stream.linear.scatter [tilespmem:s19], [sflag:$0x3], $0x2800, $0x38;
	[tilespmem:$0x13F00] =	vst v63  }
0x60: {  	_ =	swait.ge [sflag:s20], $0x2800  }
0x61: {  	[sflag:s20] =	ssyncset.done $0x0  }
0x62: {  	s29 =	sadd.s32 $0xA0, s28;
	[sflag:s20] =	ssyncadd.s32 $0xFFFFD800  }
0x63: {  	[tilespmem:s14], [sflag:$0x1] =	stream.indirect.gather [hbm4b:s1+s13], $0x80, s29, s13, $0xb8;
	[tilespmem:$0x13F00] =	vst v63  }
0x64: {  	s28 =	sadd.s32 $0x2820, s28  }
0x65: {  	[tilespmem:s15], [sflag:$0x1] =	stream.indirect.gather [hbm4b:s2+s13], $0x80, s28, s13, $0xb8;
	[tilespmem:$0x13F00] =	vst v63  }
0x66: {  	_ =	swait.ge [sflag:s21], $0x2800  }
0x67: {  	[sflag:s21] =	ssyncset.done $0x0  }
0x68: {  	[sflag:s21] =	ssyncadd.s32 $0xFFFFD800  }
0x69: {  	_ =	swait.ge [sflag:s21], $0x2800  }
0x6a: {  	[sflag:s21] =	ssyncset.done $0x0  }
0x6b: {  	s28 =	simm.s32 $0x0;
	[sflag:s21] =	ssyncadd.s32 $0xFFFFD800  }
0x6c: {  	v0 =	vld [tilespmem:s28+$0x7770]  }
0x6d: {  	v1 =	vld [tilespmem:s28+$0xC770]  }
0x6e: {  	v2 =	vld [tilespmem:s28+$0x7700]  }
0x6f: {  	v3 =	vld [tilespmem:s28+$0xC700]  }
0x70: {  	v4 =	vld [tilespmem:s28+$0x7710]  }
0x71: {  	v5 =	vld [tilespmem:s28+$0xC710]  }
0x72: {  	v6 =	vld [tilespmem:s28+$0x7720]  }
0x73: {  	v7 =	vld [tilespmem:s28+$0x7730]  }
0x74: {  	v0 =	vadd.bf16 v1, v0;
	v1 =	vld [tilespmem:s28+$0xC720]  }
0x75: {  	v8 =	vld [tilespmem:s28+$0xC730]  }
0x76: {  	v9 =	vld [tilespmem:s28+$0xC740];
	v2 =	vadd.bf16 v3, v2  }
0x77: {  	[tilespmem:s28+$0x11770] =	vst v0;
	v0 =	vadd.bf16 v5, v4;
	v5 =	vld [tilespmem:s28+$0x7740]  }
0x78: {  	v3 =	vld [tilespmem:s28+$0xC750];
	[tilespmem:s28+$0x11700] =	vst v2  }
0x79: {  	v2 =	vld [tilespmem:s28+$0x7750];
	[tilespmem:s28+$0x11710] =	vst v0;
	v0 =	vadd.bf16 v1, v6  }
0x7a: {  	v4 =	vld [tilespmem:s28+$0xC760];
	v6 =	vadd.bf16 v8, v7  }
0x7b: {  	s29 =	simm.s32 $0x80;
	[tilespmem:s28+$0x11720] =	vst v0;
	v0 =	vld [tilespmem:s28+$0x7760]  }
0x7c: {  	s30 =	simm.s32 $0x400;
	v5 =	vadd.bf16 v9, v5;
	v1 =	vld [tilespmem:s29+$0x7770];
	[tilespmem:s28+$0x11730] =	vst v6  }
.LBB2_5:
0x7d: {  	p0 =	sne.s32 s30, $0x9E00;
	v6 =	vld [tilespmem:s29+$0xC770]  }
0x7e: {  	v7 =	vld [tilespmem:s29+$0x7700];
	[tilespmem:s28+$0x11740] =	vst v5;
	v2 =	vadd.bf16 v3, v2  }
0x7f: {  	v3 =	vld [tilespmem:s29+$0xC700]  }
0x80: {  	v5 =	vld [tilespmem:s29+$0x7710];
	[tilespmem:s28+$0x11750] =	vst v2;
	v0 =	vadd.bf16 v4, v0  }
0x81: {  	v2 =	vld [tilespmem:s29+$0xC710]  }
0x82: {  	v4 =	vld [tilespmem:s29+$0x7720];
	v1 =	vadd.bf16 v6, v1;
	[tilespmem:s28+$0x11760] =	vst v0;
	s28 =	smov.u32 s29  }
0x83: {  	v0 =	vld [tilespmem:s28+$0xC720]  }
0x84: {  	v3 =	vadd.bf16 v3, v7;
	v6 =	vld [tilespmem:s28+$0x7730];
	[tilespmem:s28+$0x11770] =	vst v1  }
0x85: {  	v1 =	vld [tilespmem:s28+$0xC730]  }
0x86: {  	[tilespmem:s28+$0x11700] =	vst v3;
	v2 =	vadd.bf16 v2, v5;
	v5 =	vld [tilespmem:s28+$0x7740]  }
0x87: {  	v7 =	vld [tilespmem:s28+$0xC740]  }
.Ltmp1:
0x88: {  	[tilespmem:s28+$0x11710] =	vst v2;
	v0 =	vadd.bf16 v0, v4;
	v2 =	vld [tilespmem:s28+$0x7750];
	(pc) =	sbr.rel @p0 .LBB2_5-.Ltmp1, $4  }
0x89: {  	v3 =	vld [tilespmem:s28+$0xC750]  }
0x8a: {  	[tilespmem:s28+$0x11720] =	vst v0;
	v6 =	vadd.bf16 v1, v6;
	v0 =	vld [tilespmem:s28+$0x7760]  }
0x8b: {  	s29 =	sshra.s32 s30, $0x2;
	v4 =	vld [tilespmem:s28+$0xC760]  }
0x8c: {  	s30 =	sadd.s32 $0x200, s30;
	v1 =	vld [tilespmem:s29+$0x7770];
	[tilespmem:s28+$0x11730] =	vst v6;
	v5 =	vadd.bf16 v7, v5  }
0x8d: {  	v6 =	vld [tilespmem:s29+$0xC770]  }
0x8e: {  	v7 =	vld [tilespmem:s29+$0x7700];
	[tilespmem:s28+$0x11740] =	vst v5;
	v2 =	vadd.bf16 v3, v2  }
0x8f: {  	v51 =	vld [tilespmem:s29+$0xC700]  }
0x90: {  	v5 =	vld [tilespmem:s29+$0x7710];
	[tilespmem:s28+$0x11750] =	vst v2;
	v0 =	vadd.bf16 v4, v0  }
0x91: {  	v2 =	vld [tilespmem:s29+$0xC710]  }
0x92: {  	v52 =	vld [tilespmem:s29+$0x7720];
	[tilespmem:s28+$0x11760] =	vst v0  }
0x93: {  	v54 =	vld [tilespmem:s29+$0xC720]  }
0x94: {  	v55 =	vld [tilespmem:s29+$0x7730]  }
0x95: {  	v56 =	vld [tilespmem:s29+$0xC730]  }
0x96: {  	v57 =	vld [tilespmem:s29+$0x7740]  }
0x97: {  	v58 =	vld [tilespmem:s29+$0xC740]  }
0x98: {  	v59 =	vld [tilespmem:s29+$0x7750]  }
0x99: {  	v53 =	vadd.bf16 v6, v1;
	v60 =	vld [tilespmem:s29+$0xC750]  }
0x9a: {  	v61 =	vld [tilespmem:s29+$0x7760];
	v3 =	vadd.bf16 v51, v7  }
0x9b: {  	v62 =	vld [tilespmem:s29+$0xC760];
	[tilespmem:s29+$0x11770] =	vst v53;
	v2 =	vadd.bf16 v2, v5  }
0x9c: {  	[tilespmem:s29+$0x11700] =	vst v3;
	v1 =	vadd.bf16 v54, v52  }
0x9d: {  	s25 =	sadd.s32 $0x1, s25;
	[tilespmem:s29+$0x11710] =	vst v2;
	v0 =	vadd.bf16 v56, v55  }
0x9e: {  	p0 =	sne.s32 s25, $0x3E;
	v3 =	vadd.bf16 v58, v57;
	[tilespmem:s29+$0x11720] =	vst v1  }
.Ltmp2:
0x9f: {  	v63 =	vadd.bf16 v60, v59;
	[tilespmem:s29+$0x11730] =	vst v0;
	(pc) =	sbr.rel @p0 .LBB2_2-.Ltmp2, $4  }
0xa0: {  	s26 =	sadd.s32 s6, s26;
	[tilespmem:s29+$0x11740] =	vst v3;
	v1 =	vadd.bf16 v62, v61  }
0xa1: {  	s26 =	sshll.u32 s26, $0x4;
	[tilespmem:s29+$0x11750] =	vst v63  }
0xa2: {  	s26 =	sadd.s32 s4, s26;
	[tilespmem:s29+$0x11760] =	vst v1  }
0xa3: {  	[hbm4b:s26+s5] =	stream.linear.scatter [tilespmem:s22], [sflag:$0x4], $0x2800, $0x38;
	[tilespmem:$0x13F00] =	vst v63  }
0xa4: {  	_ =	swait.ge [sflag:s18], $0x2800  }
0xa5: {  	[sflag:s18] =	ssyncset.done $0x0  }
0xa6: {  	[sflag:s18] =	ssyncadd.s32 $0xFFFFD800  }
0xa7: {  	_ =	swait.ge [sflag:s18], $0x2800  }
0xa8: {  	[sflag:s18] =	ssyncset.done $0x0  }
0xa9: {  	s25 =	simm.s32 $0x0;
	[sflag:s18] =	ssyncadd.s32 $0xFFFFD800  }
0xaa: {  	v0 =	vld [tilespmem:s25+$0x4F70]  }
0xab: {  	v1 =	vld [tilespmem:s25+$0x9F70]  }
0xac: {  	v2 =	vld [tilespmem:s25+$0x4F00]  }
0xad: {  	v3 =	vld [tilespmem:s25+$0x9F00]  }
0xae: {  	v4 =	vld [tilespmem:s25+$0x4F10]  }
0xaf: {  	v5 =	vld [tilespmem:s25+$0x9F10]  }
0xb0: {  	v6 =	vld [tilespmem:s25+$0x4F20]  }
0xb1: {  	v7 =	vld [tilespmem:s25+$0x4F30]  }
0xb2: {  	v0 =	vadd.bf16 v1, v0;
	v1 =	vld [tilespmem:s25+$0x9F20]  }
0xb3: {  	v8 =	vld [tilespmem:s25+$0x9F30]  }
0xb4: {  	v9 =	vld [tilespmem:s25+$0x9F40];
	v2 =	vadd.bf16 v3, v2  }
0xb5: {  	[tilespmem:s25+$0xEF70] =	vst v0;
	v0 =	vadd.bf16 v5, v4;
	v5 =	vld [tilespmem:s25+$0x4F40]  }
0xb6: {  	v3 =	vld [tilespmem:s25+$0x9F50];
	[tilespmem:s25+$0xEF00] =	vst v2  }
0xb7: {  	v2 =	vld [tilespmem:s25+$0x4F50];
	[tilespmem:s25+$0xEF10] =	vst v0;
	v0 =	vadd.bf16 v1, v6  }
0xb8: {  	v4 =	vld [tilespmem:s25+$0x9F60];
	v6 =	vadd.bf16 v8, v7  }
0xb9: {  	s26 =	simm.s32 $0x80;
	[tilespmem:s25+$0xEF20] =	vst v0;
	v0 =	vld [tilespmem:s25+$0x4F60]  }
0xba: {  	s28 =	simm.s32 $0x400;
	v5 =	vadd.bf16 v9, v5;
	v1 =	vld [tilespmem:s26+$0x4F70];
	[tilespmem:s25+$0xEF30] =	vst v6  }
.LBB2_8:
0xbb: {  	p0 =	sne.s32 s28, $0x9E00;
	v6 =	vld [tilespmem:s26+$0x9F70]  }
0xbc: {  	v7 =	vld [tilespmem:s26+$0x4F00];
	[tilespmem:s25+$0xEF40] =	vst v5;
	v2 =	vadd.bf16 v3, v2  }
0xbd: {  	v3 =	vld [tilespmem:s26+$0x9F00]  }
0xbe: {  	v5 =	vld [tilespmem:s26+$0x4F10];
	[tilespmem:s25+$0xEF50] =	vst v2;
	v0 =	vadd.bf16 v4, v0  }
0xbf: {  	v2 =	vld [tilespmem:s26+$0x9F10]  }
0xc0: {  	v4 =	vld [tilespmem:s26+$0x4F20];
	v1 =	vadd.bf16 v6, v1;
	[tilespmem:s25+$0xEF60] =	vst v0;
	s25 =	smov.u32 s26  }
0xc1: {  	v0 =	vld [tilespmem:s25+$0x9F20]  }
0xc2: {  	v3 =	vadd.bf16 v3, v7;
	v6 =	vld [tilespmem:s25+$0x4F30];
	[tilespmem:s25+$0xEF70] =	vst v1  }
0xc3: {  	v1 =	vld [tilespmem:s25+$0x9F30]  }
0xc4: {  	[tilespmem:s25+$0xEF00] =	vst v3;
	v2 =	vadd.bf16 v2, v5;
	v5 =	vld [tilespmem:s25+$0x4F40]  }
0xc5: {  	v7 =	vld [tilespmem:s25+$0x9F40]  }
.Ltmp3:
0xc6: {  	[tilespmem:s25+$0xEF10] =	vst v2;
	v0 =	vadd.bf16 v0, v4;
	v2 =	vld [tilespmem:s25+$0x4F50];
	(pc) =	sbr.rel @p0 .LBB2_8-.Ltmp3, $4  }
0xc7: {  	v3 =	vld [tilespmem:s25+$0x9F50]  }
0xc8: {  	[tilespmem:s25+$0xEF20] =	vst v0;
	v6 =	vadd.bf16 v1, v6;
	v0 =	vld [tilespmem:s25+$0x4F60]  }
0xc9: {  	s26 =	sshra.s32 s28, $0x2;
	v4 =	vld [tilespmem:s25+$0x9F60]  }
0xca: {  	s28 =	sadd.s32 $0x200, s28;
	v1 =	vld [tilespmem:s26+$0x4F70];
	[tilespmem:s25+$0xEF30] =	vst v6;
	v5 =	vadd.bf16 v7, v5  }
0xcb: {  	v6 =	vld [tilespmem:s26+$0x9F70]  }
0xcc: {  	v7 =	vld [tilespmem:s26+$0x4F00];
	[tilespmem:s25+$0xEF40] =	vst v5;
	v2 =	vadd.bf16 v3, v2  }
0xcd: {  	v51 =	vld [tilespmem:s26+$0x9F00]  }
0xce: {  	v5 =	vld [tilespmem:s26+$0x4F10];
	[tilespmem:s25+$0xEF50] =	vst v2;
	v0 =	vadd.bf16 v4, v0  }
0xcf: {  	v2 =	vld [tilespmem:s26+$0x9F10]  }
0xd0: {  	v52 =	vld [tilespmem:s26+$0x4F20];
	[tilespmem:s25+$0xEF60] =	vst v0  }
0xd1: {  	v54 =	vld [tilespmem:s26+$0x9F20]  }
0xd2: {  	v55 =	vld [tilespmem:s26+$0x4F30]  }
0xd3: {  	v56 =	vld [tilespmem:s26+$0x9F30]  }
0xd4: {  	v57 =	vld [tilespmem:s26+$0x4F40]  }
0xd5: {  	v58 =	vld [tilespmem:s26+$0x9F40]  }
0xd6: {  	v59 =	vld [tilespmem:s26+$0x4F50]  }
0xd7: {  	v53 =	vadd.bf16 v6, v1;
	v60 =	vld [tilespmem:s26+$0x9F50]  }
0xd8: {  	v61 =	vld [tilespmem:s26+$0x4F60];
	v3 =	vadd.bf16 v51, v7  }
0xd9: {  	v62 =	vld [tilespmem:s26+$0x9F60];
	[tilespmem:s26+$0xEF70] =	vst v53;
	v2 =	vadd.bf16 v2, v5  }
0xda: {  	[tilespmem:s26+$0xEF00] =	vst v3;
	v1 =	vadd.bf16 v54, v52  }
0xdb: {  	[tilespmem:s26+$0xEF10] =	vst v2;
	v0 =	vadd.bf16 v56, v55  }
0xdc: {  	v3 =	vadd.bf16 v58, v57;
	[tilespmem:s26+$0xEF20] =	vst v1  }
0xdd: {  	v63 =	vadd.bf16 v60, v59;
	[tilespmem:s26+$0xEF30] =	vst v0  }
0xde: {  	[tilespmem:s26+$0xEF40] =	vst v3;
	v1 =	vadd.bf16 v62, v61  }
0xdf: {  	[tilespmem:s26+$0xEF50] =	vst v63  }
0xe0: {  	s24 =	sadd.s32 $0x1, s24;
	[tilespmem:s26+$0xEF60] =	vst v1  }
0xe1: {  	[hbm4b:s9+s5] =	stream.linear.scatter [tilespmem:s19], [sflag:$0x3], $0x2800, $0x38;
	[tilespmem:$0x13F00] =	vst v63  }
0xe2: {  	p0 =	sne.s32 s24, s10;
	_ =	swait.ge [sflag:s20], $0x2800  }
.Ltmp4:
0xe3: {  	[sflag:s20] =	ssyncset.done $0x0;
	(pc) =	sbr.rel @p0 .LBB2_1-.Ltmp4, $4  }
0xe4: {  	[sflag:s20] =	ssyncadd.s32 $0xFFFFD800  }
0xe5: {  	_ =	swait.ge [sflag:s23], $0x2800  }
0xe6: {  	[sflag:s23] =	ssyncset.done $0x0  }
0xe7: {  	[sflag:s23] =	ssyncadd.s32 $0xFFFFD800  }
0xe8: {  	_ =	sfence.sel $0x180000  }
0xe9: {  	[bflag:$0x0] =	sbarrier.arrive $0xFFFF  }
0xea: {  	p0 =	sne.s32 s0, $0x0;
	_ =	strace $0x90000047  }
0xeb: {  	s0 =	sadd.s32 @!p0 $0x100000, s3;
	[bflag:$0x2] =	sbarrier.arrive $0xFFFF  }
0xec: {  	[sflag:s0] =	ssyncadd.tile.s32 @!p0 $0x1;
	_ =	shalt  }
.Lfunc_end2:
_tile_overlayer_lowered:
.L_overlay_start_2:
0xed: {  	(tag) =	ssettag $0x2  }
0xee: {  	s0 =	rddreg [dreg:$0x0];
	s2 =	stileid.u32  }
0xef: {  	s1 =	rddreg [dreg:$0x1];
	p0 =	sne.s32 s2, $0x0  }
0xf0: {  	s3 =	rddreg [dreg:$0x2];
	[bflag:$0x3] =	sbarrier.arrive $0xFFFF;
	s2 =	simm.s32 @!p0 $0x1C05  }
0xf1: {  	[timem:s3], [sflag:s2] =	dma.local @!p0 [hbm:s0], s1  }
0xf2: {  	s0 =	simm.s32 @!p0 $0x5  }
0xf3: {  	_ =	swait.ge @!p0 [sflag:s0], s1  }
0xf4: {  	s1 =	ssub.s32 @!p0 $0x0, s1;
	[sflag:s0] =	ssyncset.done @!p0 $0x0  }
0xf5: {  	[sflag:s0] =	ssyncadd.s32 @!p0 s1  }
0xf6: {  	[bflag:$0x3] =	sbarrier.arrive $0xFFFF  }
0xf7: {  	_ =	shalt  }

// kernel: kernel.7.cloned.1.call-start
scs
__scs_entry_jumppad:
0x0: {  	(pc) =	sbr.rel $0x88, $3  }
0x1: {  	(tag) =	ssettag $0x0;
	lr =	simm.s32 $0x1  }
0x2: {  	[smem:$0x3F9B] =	sst lr;
	_ =	strace $0xD0000000  }
0x3: {  	_ = 	snop  }
0x4: {  	_ = 	snop  }
0x5: {  	_ = 	snop  }
0x6: {  	_ = 	snop  }
0x7: {  	_ = 	snop  }
__scs_overlays_trampoline_lowered:
0x8: {  	[smem:$0x3FAA] =	sst s0  }
0x9: {  	[smem:$0x3FAB] =	sst s1  }
0xa: {  	[smem:$0x3FAC] =	sst s2  }
0xb: {  	[smem:$0x3FAD] =	sst s3  }
0xc: {  	[smem:$0x3FAE] =	sst s4  }
0xd: {  	[smem:$0x3FAF] =	sst s5  }
0xe: {  	[smem:$0x3FB0] =	sst s6  }
0xf: {  	[smem:$0x3FB1] =	sst s7  }
0x10: {  	[smem:$0x3FB2] =	sst s8  }
0x11: {  	[smem:$0x3FB3] =	sst s9;
	s0 =	simm.s32 @!p0 $0x0  }
0x12: {  	s1 =	sld [smem:$0x3F99];
	s0 =	simm.s32 @p0 $0x1  }
0x13: {  	[smem:$0x3FB4] =	sst s0;
	s0 =	simm.s32 @!p1 $0x0  }
0x14: {  	s2 =	sld [smem:$0x3F98];
	s0 =	simm.s32 @p1 $0x1  }
0x15: {  	[smem:$0x3FB5] =	sst s0;
	s0 =	simm.s32 @!p2 $0x0  }
0x16: {  	s3 =	sld [smem:$0x3FDB];
	s0 =	simm.s32 @p2 $0x1  }
0x17: {  	s4 =	simm.s32 $0x1BF5;
	[smem:$0x3FB7] =	sst s0  }
0x18: {  	s0 =	sld [smem:$0x3F9A];
	_ =	swait.ge [sflag:s4], $0x0  }
0x19: {  	s7 =	sld [smem:$0x3F9B]  }
0x1a: {  	s8 =	sadd.s32 $0xFFFFE003, lr  }
0x1b: {  	s9 =	sadd.s32 $0xFFFFFEF7, lr;
	s5 =	simm.s32 $0xFFFFFFFF;
	p2 =	slt.u32 s8, $0xFFFFF086  }
0x1c: {  	p1 =	slt.u32 s9, $0xF7A;
	s5 =	simm.s32 @!p2 $0x0  }
0x1d: {  	s5 =	simm.s32 @p1 $0x1;
	p0 =	seq.s32 s7, s2  }
0x1e: {  	s7 =	smul.u32 @!p0 $0xF7A, s2;
	p2 =	seq.s32 @!p0 s5, $0x0  }
0x1f: {  	s9 =	smul.u32 $0xF7A, s1;
	s8 =	simm.s32 @!p0 $0x1BF5;
	p2 =	por !p2, p0  }
0x20: {  	[sflag:s8] =	ssyncset.s32 @!p0 $0xFFFFF086;
	s6 =	sadd.s32 @!p0 s3, s7;
	s7 =	simm.s32 @!p0 $0x108  }
0x21: {  	s3 =	sadd.s32 s3, s9;
	s6 =	sadd.s32 @!p0 $0x88, s6;
	s7 =	simm.s32 @p2 $0x1082  }
0x22: {  	[simem:s7], [sflag:s8] =	dma.local @!p0 [hbm:s6], $0xF7A  }
0x23: {  	s9 =	sor.u32 $0xD0000000, s2;
	s6 =	simm.s32 $0x108;
	_ =	swait.ge @!p0 [sflag:s8], $0x0  }
0x24: {  	s3 =	sadd.s32 $0x88, s3;
	s6 =	simm.s32 @!p1 $0x1082;
	[sflag:s4] =	ssyncset.s32 $0xFFFFF086  }
0x25: {  	[simem:s6], [sflag:s4] =	dma.local [hbm:s3], $0xF7A  }
0x26: {  	[smem:$0x3F9B] =	sst s1;
	(tag) =	ssettag s2;
	_ =	strace s9  }
0x27: {  	s1 =	sld [smem:$0x3FAB]  }
0x28: {  	s2 =	sld [smem:$0x3FAC]  }
0x29: {  	s4 =	sld [smem:$0x3FAE]  }
0x2a: {  	p0 =	seq.s32 s5, $0x0;
	s5 =	sld [smem:$0x3FAF]  }
0x2b: {  	s6 =	sld [smem:$0x3FB0]  }
0x2c: {  	s7 =	sld [smem:$0x3FB1]  }
0x2d: {  	s3 =	simm.s32 $0x108;
	s8 =	sld [smem:$0x3FB2]  }
0x2e: {  	s3 =	simm.s32 @!p0 $0x1082;
	s9 =	sld [smem:$0x3FB3]  }
0x2f: {  	lr =	sadd.s32 s0, s3;
	s0 =	sld [smem:$0x3FAA]  }
0x30: {  	s3 =	sld [smem:$0x3FAD]  }
0x31: {  	[smem:$0x3FB6] =	sst s10  }
0x32: {  	s10 =	sld [smem:$0x3FB4];
	_ =	sdelay $0x3  }
0x33: {  	p0 =	seq.s32 s10, $0x1;
	s10 =	sld [smem:$0x3FB6];
	_ =	sdelay $0x3  }
0x34: {  	[smem:$0x3FB6] =	sst s10  }
0x35: {  	s10 =	sld [smem:$0x3FB5];
	_ =	sdelay $0x3  }
0x36: {  	p1 =	seq.s32 s10, $0x1;
	s10 =	sld [smem:$0x3FB6];
	_ =	sdelay $0x3  }
0x37: {  	[smem:$0x3FB6] =	sst s10  }
0x38: {  	s10 =	sld [smem:$0x3FB7]  }
0x39: {  	_ = 	snop;
	(pc) =	sbr.ind lr, $3  }
0x3a: {  	_ = 	snop  }
0x3b: {  	_ = 	snop  }
0x3c: {  	p2 =	seq.s32 s10, $0x1;
	s10 =	sld [smem:$0x3FB6]  }
0x3d: {  	_ =	shalt  }
0x3e: {  	_ =	shalt  }
0x3f: {  	_ =	shalt  }
0x40: {  	_ =	shalt  }
0x41: {  	_ =	shalt  }
0x42: {  	_ =	shalt  }
0x43: {  	_ =	shalt  }
0x44: {  	_ =	shalt  }
0x45: {  	_ =	shalt  }
0x46: {  	_ =	shalt  }
0x47: {  	_ =	shalt  }
0x48: {  	_ =	shalt  }
0x49: {  	_ =	shalt  }
0x4a: {  	_ =	shalt  }
0x4b: {  	_ =	shalt  }
0x4c: {  	_ =	shalt  }
0x4d: {  	_ =	shalt  }
0x4e: {  	_ =	shalt  }
0x4f: {  	_ =	shalt  }
0x50: {  	_ =	shalt  }
0x51: {  	_ =	shalt  }
0x52: {  	_ =	shalt  }
0x53: {  	_ =	shalt  }
0x54: {  	_ =	shalt  }
0x55: {  	_ =	shalt  }
0x56: {  	_ =	shalt  }
0x57: {  	_ =	shalt  }
0x58: {  	_ =	shalt  }
0x59: {  	_ =	shalt  }
0x5a: {  	_ =	shalt  }
0x5b: {  	_ =	shalt  }
0x5c: {  	_ =	shalt  }
0x5d: {  	_ =	shalt  }
0x5e: {  	_ =	shalt  }
0x5f: {  	_ =	shalt  }
0x60: {  	_ =	shalt  }
0x61: {  	_ =	shalt  }
0x62: {  	_ =	shalt  }
0x63: {  	_ =	shalt  }
0x64: {  	_ =	shalt  }
0x65: {  	_ =	shalt  }
0x66: {  	_ =	shalt  }
0x67: {  	_ =	shalt  }
0x68: {  	_ =	shalt  }
0x69: {  	_ =	shalt  }
0x6a: {  	_ =	shalt  }
0x6b: {  	_ =	shalt  }
0x6c: {  	_ =	shalt  }
0x6d: {  	_ =	shalt  }
0x6e: {  	_ =	shalt  }
0x6f: {  	_ =	shalt  }
0x70: {  	_ =	shalt  }
0x71: {  	_ =	shalt  }
0x72: {  	_ =	shalt  }
0x73: {  	_ =	shalt  }
0x74: {  	_ =	shalt  }
0x75: {  	_ =	shalt  }
0x76: {  	_ =	shalt  }
0x77: {  	_ =	shalt  }
0x78: {  	_ =	shalt  }
0x79: {  	_ =	shalt  }
0x7a: {  	_ =	shalt  }
0x7b: {  	_ =	shalt  }
0x7c: {  	_ =	shalt  }
0x7d: {  	_ =	shalt  }
0x7e: {  	_ =	shalt  }
0x7f: {  	_ =	shalt  }
0x80: {  	_ =	shalt  }
0x81: {  	_ =	shalt  }
0x82: {  	_ =	shalt  }
0x83: {  	_ =	shalt  }
0x84: {  	_ =	shalt  }
0x85: {  	_ =	shalt  }
0x86: {  	_ =	shalt  }
0x87: {  	_ =	shalt  }
.Lfunc_end0:
.L_simem_size_0:
called_computation_lowered:
.L_overlay_start_0:
0x88: {  	s2 =	sld [smem:$0x3FD9]  }
0x89: {  	s3 =	sld [smem:$0x3FFE];
	_ =	sdelay $0x1  }
0x8a: {  	s1 =	srdreg.scid  }
0x8b: {  	s0 =	sand.u32 $0x1, s1  }
0x8c: {  	s15 =	sshll.u32 s0, $0xA;
	s2 =	sadd.s32 s3, s2  }
0x8d: {  	s2 =	sadd.s32 s2, s15  }
0x8e: {  	[smem:$0x3FC2] =	sst s2  }
0x8f: {  	_ = 	snop  }
0x90: {  	s2 =	sld [smem:$0x3FD0];
	_ =	sdelay $0x2  }
0x91: {  	s16 =	simm.s32 $0xB;
	s4 =	simm.s32 $0x10  }
0x92: {  	[smem:s4], [sflag:s16] =	dma.local [hbm:s2], $0x1  }
0x93: {  	_ =	swait.eq [sflag:s16], $0x1  }
0x94: {  	[sflag:s16] =	ssyncset.done $0x0  }
0x95: {  	[sflag:s16] =	ssyncadd.s32 $0xFFFFFFFF  }
0x96: {  	s17 =	sld [smem:$0x10];
	(tm) =	ssettm $0x1  }
0x97: {  	s18 =	sld [smem:$0x3FFB];
	_ =	sdelay $0x3  }
0x98: {  	_ =	strace s18  }
0x99: {  	s2 =	sld [smem:$0x3FFC];
	_ =	sdelay $0x3  }
0x9a: {  	_ =	strace s2  }
0x9b: {  	s2 =	sld [smem:$0x3FFD];
	_ =	sdelay $0x3  }
0x9c: {  	_ =	strace s2  }
0x9d: {  	_ =	strace $0x8FFFFFFF  }
0x9e: {  	s19 =	sld [smem:$0x3FDB];
	_ =	sdelay $0x1  }
0x9f: {  	s20 =	simm.s32 $_scs_section_size  }
0xa0: {  	s5 =	simm.s32 $_size__tile_overlayer_lowered;
	s6 =	simm.s32 $_tile_overlayer_lowered  }
0xa1: {  	s7 =	simm.s32 $0x1BFF;
	s21 =	sshll.u32 s6, $0x1;
	s4 =	sadd.s32 s20, s19  }
0xa2: {  	s22 =	simm.s32 $0x0;
	s5 =	sshll.u32 s5, $0x1;
	s6 =	sadd.s32 s21, s4  }
0xa3: {  	[timem:s22], [sflag:s7] =	dma.local [hbm:s6], s5  }
0xa4: {  	_ =	swait.ge [sflag:s7], s5  }
0xa5: {  	s5 =	ssub.s32 $0x0, s5;
	[sflag:s7] =	ssyncset.done $0x0  }
0xa6: {  	[sflag:s7] =	ssyncadd.s32 s5;
	_ =	sdelay $0x1  }
0xa7: {  	s23 =	simm.s32 $0x1B8B  }
0xa8: {  	_ =	swait.ge [sflag:s23], $0x1  }
0xa9: {  	[sflag:s23] =	ssyncset.done $0x0  }
0xaa: {  	[sflag:s23] =	ssyncadd.s32 $0xFFFFFFFF  }
0xab: {  	s5 =	sld [smem:$0x0]  }
0xac: {  	s6 =	sand.u32 $0xFFFFFFFE, s1  }
0xad: {  	p0 =	sne.s32 s1, s6  }
0xae: {  	s6 =	sshll.u32 @p0 s6, $0xE  }
0xaf: {  	s6 =	sadd.s32 @p0 $0x11B8D, s6;
	s7 =	sshll.u32 @p0 s5, $0x11  }
0xb0: {  	s6 =	sor.u32 @p0 s7, s6  }
0xb1: {  	[sflag:s6] =	ssyncadd.remote.s32 @p0 $0x1;
	_ =	sdelay $0x1  }
0xb2: {  	s6 =	simm.s32 @p0 $0x1B8D  }
0xb3: {  	_ =	swait.eq @p0 [sflag:s6], $0x1  }
0xb4: {  	[sflag:s6] =	ssyncadd.s32 @p0 $0xFFFFFFFF  }
0xb5: {  	s7 =	sshll.u32 @!p0 s1, $0xE  }
0xb6: {  	s7 =	sor.u32 @!p0 $0x4000, s7;
	s6 =	simm.s32 @!p0 $0x1B8D  }
0xb7: {  	s5 =	sshll.u32 @!p0 s5, $0x11;
	s7 =	sadd.s32 @!p0 $0x11B8D, s7;
	_ =	swait.eq @!p0 [sflag:s6], $0x1  }
0xb8: {  	s5 =	sor.u32 @!p0 s5, s7;
	[sflag:s6] =	ssyncadd.s32 @!p0 $0xFFFFFFFF  }
0xb9: {  	s25 =	simm.s32 $0x1B8E;
	s24 =	sld [smem:$0x3FFE];
	[sflag:s5] =	ssyncadd.remote.s32 @!p0 $0x1  }
0xba: {  	s26 =	simm.s32 $execute0_lowered;
	[smem:$0x3FD2] =	sst s25  }
0xbb: {  	s6 =	sshll.u32 s26, $0x1;
	_ =	strace $0x80000049;
	[dreg:$0x1] =	wrdreg $0xFFFFFFFF  }
0xbc: {  	s28 =	simm.s32 $_size_execute0_lowered;
	s4 =	sadd.s32 s4, s6;
	[dreg:$0x0] =	wrdreg $0x0  }
0xbd: {  	s6 =	sshll.u32 s28, $0x1;
	[dreg:$0x2] =	wrdreg s4  }
0xbe: {  	[dreg:$0x3] =	wrdreg s6  }
0xbf: {  	[dreg:$0x4] =	wrdreg $0xC0  }
0xc0: {  	_ =	task [dreg:s22], $0x5FFFF  }
0xc1: {  	[dreg:$0x1] =	wrdreg $0xFFFFFFFF  }
0xc2: {  	[dreg:$0x0] =	wrdreg $0x60  }
0xc3: {  	[dreg:$0x2] =	wrdreg s24  }
0xc4: {  	[dreg:$0x3] =	wrdreg s17  }
0xc5: {  	[dreg:$0x4] =	wrdreg $0x9  }
0xc6: {  	_ =	task.clear_ibuf [dreg:s22], $0x5FFFF;
	_ =	strace $0x90000049  }
0xc7: {  	s29 =	simm.s32 $0x9;
	_ =	strace $0x8000004B  }
0xc8: {  	_ =	swait.ge [sflag:s29], $0x1  }
0xc9: {  	[sflag:s29] =	ssyncadd.s32 $0xFFFFFFFF  }
0xca: {  	_ =	strace $0x9000004B  }
0xcb: {  	_ =	sfence  }
0xcc: {  	s30 =	sld [smem:$0x0];
	_ =	sdelay $0x2  }
0xcd: {  	s31 =	sshll.u32 s1, $0xD;
	s1 =	sshrl.u32 s1, $0x2  }
0xce: {  	s4 =	sand.u32 $0x4000, s31;
	s1 =	sadd.s32 s1, s30  }
0xcf: {  	s0 =	sor.u32 s4, s0;
	s1 =	sshll.u32 s1, $0x11  }
0xd0: {  	s0 =	sor.u32 s1, s0  }
0xd1: {  	s0 =	sadd.s32 $0x8F2B, s0  }
0xd2: {  	[sflag:s0] =	ssyncadd.remote.s32 $0x1  }
0xd3: {  	_ =	sfence.sel $0xFFFF  }
0xd4: {  	[dreg:$0x0] =	wrdreg $0xFFFFFFFF;
	(pc) =	sbr.abs _section_cstart, $3  }
0xd5: {  	[dreg:$0x1] =	wrdreg $0xFFFFFFFF  }
0xd6: {  	_ =	task.clear_ibuf [dreg:s22], $0x2FFFF;
	_ =	strace $0x9FFFFFFF  }
0xd7: {  	(tm) =	ssettm $0x7FFFFFFF  }
tec
execute0_lowered:
.L_overlay_start_1:
0x0: {  	(tag) =	ssettag $0x1  }
0x1: {  	s7 =	rddreg [dreg:$0x0];
	s1 =	srdreg.scid  }
0x2: {  	s0 =	stileid.u32;
	s2 =	rddreg [dreg:$0x1]  }
0x3: {  	s3 =	simm.s32 $0x0;
	s12 =	simm.s32 $0x2780;
	s13 =	simm.s32 $0x50  }
0x4: {  	s14 =	simm.s32 $0x4F00;
	s15 =	simm.s32 $0x9F00;
	s16 =	simm.s32 $0x7700  }
0x5: {  	s17 =	simm.s32 $0xC700;
	s18 =	simm.s32 $0x1;
	s19 =	simm.s32 $0xEF00  }
0x6: {  	s20 =	simm.s32 $0x3;
	s21 =	simm.s32 $0x2;
	s22 =	simm.s32 $0x11700  }
0x7: {  	s23 =	simm.s32 $0x4;
	s6 =	sand.u32 $0x1, s1;
	s4 =	sshll.u32 s0, $0x1  }
0x8: {  	s24 =	simm.s32 $0x0;
	s1 =	rddreg [dreg:$0x2];
	s5 =	sor.u32 s6, s4  }
0x9: {  	[smem:$0x7FF] =	sst s3;
	s10 =	ssub.s32 $0x2, s6;
	s4 =	smul.u32 $0x2710, s5  }
0xa: {  	_ =	strace $0x8000004A;
	s8 =	smul.u32 $0x138800, s5;
	s11 =	sshrl.u32 s10, $0x1  }
0xb: {  	s6 =	sadd.s32 $0x3BE00, s7;
	s5 =	sadd.s32 $0x14C00, s7;
	s10 =	ssub.s32 s10, s11  }
0xc: {  	s11 =	simm.s32 $0x5;
	s9 =	sshrl.u32 s4, $0x3;
	s8 =	sshrl.u32 s8, $0x3  }
0xd: {  	s10 =	smax.u32 s10, $0x1;
	s9 =	sadd.s32 s9, s7;
	s31 =	sadd.s32 s6, s8  }
0xe: {  	s7 =	sadd.s32 $0xAE00, s9;
	s8 =	sadd.s32 $0x1000, s9;
	s9 =	sadd.s32 $0x26C00, s31  }
.LBB2_1:
0xf: {  	[tilespmem:s3], [sflag:$0x5] =	stream.linear.gather [hbm4b:s7+s3], $0x2710, $0x38;
	[tilespmem:$0x13F00] =	vst v63  }
0x10: {  	_ =	swait.ge [sflag:s11], $0x2710  }
0x11: {  	[sflag:s11] =	ssyncset.done $0x0  }
0x12: {  	[sflag:s11] =	ssyncadd.s32 $0xFFFFD8F0  }
0x13: {  	[tilespmem:s12], [sflag:$0x5] =	stream.linear.gather [hbm4b:s8+s3], $0x2710, $0x38;
	[tilespmem:$0x13F00] =	vst v63  }
0x14: {  	_ =	swait.ge [sflag:s11], $0x2710  }
0x15: {  	[sflag:s11] =	ssyncset.done $0x0  }
0x16: {  	[sflag:s11] =	ssyncadd.s32 $0xFFFFD8F0  }
0x17: {  	[tilespmem:s14], [sflag:$0x1] =	stream.indirect.gather [hbm4b:s5+s13], $0x80, s3, s13, $0xb8;
	[tilespmem:$0x13F00] =	vst v63  }
0x18: {  	s25 =	simm.s32 $0x0  }
0x19: {  	[tilespmem:s15], [sflag:$0x1] =	stream.indirect.gather [hbm4b:s2+s13], $0x80, s12, s13, $0xb8;
	[tilespmem:$0x13F00] =	vst v63  }
.LBB2_2:
0x1a: {  	p0 =	seq.s32 s25, $0x0  }
0x1b: {  	s26 =	simm.s32 @!p0 $0x4  }
0x1c: {  	s28 =	smul.u32 $0xA0, s25;
	_ =	swait.ge @!p0 [sflag:s26], $0x2800  }
0x1d: {  	[sflag:s26] =	ssyncset.done @!p0 $0x0  }
0x1e: {  	[sflag:s26] =	ssyncadd.s32 @!p0 $0xFFFFD800;
	s26 =	sadd.s32 $0x50, s28  }
0x1f: {  	[tilespmem:s16], [sflag:$0x2] =	stream.indirect.gather [hbm4b:s5+s13], $0x80, s26, s13, $0xb8;
	[tilespmem:$0x13F00] =	vst v63  }
0x20: {  	s29 =	sadd.s32 $0x27D0, s28  }
0x21: {  	[tilespmem:s17], [sflag:$0x2] =	stream.indirect.gather [hbm4b:s2+s13], $0x80, s29, s13, $0xb8;
	[tilespmem:$0x13F00] =	vst v63  }
0x22: {  	_ =	swait.ge [sflag:s18], $0x2800  }
0x23: {  	[sflag:s18] =	ssyncset.done $0x0  }
0x24: {  	[sflag:s18] =	ssyncadd.s32 $0xFFFFD800  }
0x25: {  	_ =	swait.ge [sflag:s18], $0x2800  }
0x26: {  	[sflag:s18] =	ssyncset.done $0x0  }
0x27: {  	s29 =	simm.s32 $0x0;
	[sflag:s18] =	ssyncadd.s32 $0xFFFFD800  }
0x28: {  	v0 =	vld [tilespmem:s29+$0x4F70]  }
0x29: {  	v1 =	vld [tilespmem:s29+$0x9F70]  }
0x2a: {  	v2 =	vld [tilespmem:s29+$0x4F00]  }
0x2b: {  	v3 =	vld [tilespmem:s29+$0x9F00]  }
0x2c: {  	v4 =	vld [tilespmem:s29+$0x4F10]  }
0x2d: {  	v5 =	vld [tilespmem:s29+$0x9F10]  }
0x2e: {  	v6 =	vld [tilespmem:s29+$0x4F20]  }
0x2f: {  	v7 =	vld [tilespmem:s29+$0x4F30]  }
0x30: {  	v0 =	vadd.bf16 v1, v0;
	v1 =	vld [tilespmem:s29+$0x9F20]  }
0x31: {  	v8 =	vld [tilespmem:s29+$0x9F30]  }
0x32: {  	v9 =	vld [tilespmem:s29+$0x9F40];
	v2 =	vadd.bf16 v3, v2  }
0x33: {  	[tilespmem:s29+$0xEF70] =	vst v0;
	v0 =	vadd.bf16 v5, v4;
	v5 =	vld [tilespmem:s29+$0x4F40]  }
0x34: {  	v3 =	vld [tilespmem:s29+$0x9F50];
	[tilespmem:s29+$0xEF00] =	vst v2  }
0x35: {  	v2 =	vld [tilespmem:s29+$0x4F50];
	[tilespmem:s29+$0xEF10] =	vst v0;
	v0 =	vadd.bf16 v1, v6  }
0x36: {  	v4 =	vld [tilespmem:s29+$0x9F60];
	v6 =	vadd.bf16 v8, v7  }
0x37: {  	s30 =	simm.s32 $0x80;
	[tilespmem:s29+$0xEF20] =	vst v0;
	v0 =	vld [tilespmem:s29+$0x4F60]  }
0x38: {  	s31 =	simm.s32 $0x400;
	v5 =	vadd.bf16 v9, v5;
	v1 =	vld [tilespmem:s30+$0x4F70];
	[tilespmem:s29+$0xEF30] =	vst v6  }
.LBB2_3:
0x39: {  	p0 =	sne.s32 s31, $0x9E00;
	v6 =	vld [tilespmem:s30+$0x9F70]  }
0x3a: {  	v7 =	vld [tilespmem:s30+$0x4F00];
	[tilespmem:s29+$0xEF40] =	vst v5;
	v2 =	vadd.bf16 v3, v2  }
0x3b: {  	v3 =	vld [tilespmem:s30+$0x9F00]  }
0x3c: {  	v5 =	vld [tilespmem:s30+$0x4F10];
	[tilespmem:s29+$0xEF50] =	vst v2;
	v0 =	vadd.bf16 v4, v0  }
0x3d: {  	v2 =	vld [tilespmem:s30+$0x9F10]  }
0x3e: {  	v4 =	vld [tilespmem:s30+$0x4F20];
	v1 =	vadd.bf16 v6, v1;
	[tilespmem:s29+$0xEF60] =	vst v0;
	s29 =	smov.u32 s30  }
0x3f: {  	v0 =	vld [tilespmem:s29+$0x9F20]  }
0x40: {  	v3 =	vadd.bf16 v3, v7;
	v6 =	vld [tilespmem:s29+$0x4F30];
	[tilespmem:s29+$0xEF70] =	vst v1  }
0x41: {  	v1 =	vld [tilespmem:s29+$0x9F30]  }
0x42: {  	[tilespmem:s29+$0xEF00] =	vst v3;
	v2 =	vadd.bf16 v2, v5;
	v5 =	vld [tilespmem:s29+$0x4F40]  }
0x43: {  	v7 =	vld [tilespmem:s29+$0x9F40]  }
.Ltmp0:
0x44: {  	[tilespmem:s29+$0xEF10] =	vst v2;
	v0 =	vadd.bf16 v0, v4;
	v2 =	vld [tilespmem:s29+$0x4F50];
	(pc) =	sbr.rel @p0 .LBB2_3-.Ltmp0, $4  }
0x45: {  	v3 =	vld [tilespmem:s29+$0x9F50]  }
0x46: {  	[tilespmem:s29+$0xEF20] =	vst v0;
	v6 =	vadd.bf16 v1, v6;
	v0 =	vld [tilespmem:s29+$0x4F60]  }
0x47: {  	s30 =	sshra.s32 s31, $0x2;
	v4 =	vld [tilespmem:s29+$0x9F60]  }
0x48: {  	s31 =	sadd.s32 $0x200, s31;
	v1 =	vld [tilespmem:s30+$0x4F70];
	[tilespmem:s29+$0xEF30] =	vst v6;
	v5 =	vadd.bf16 v7, v5  }
0x49: {  	v6 =	vld [tilespmem:s30+$0x9F70]  }
0x4a: {  	v7 =	vld [tilespmem:s30+$0x4F00];
	[tilespmem:s29+$0xEF40] =	vst v5;
	v2 =	vadd.bf16 v3, v2  }
0x4b: {  	v3 =	vld [tilespmem:s30+$0x9F00]  }
0x4c: {  	v5 =	vld [tilespmem:s30+$0x4F10];
	[tilespmem:s29+$0xEF50] =	vst v2;
	v0 =	vadd.bf16 v4, v0  }
0x4d: {  	v2 =	vld [tilespmem:s30+$0x9F10]  }
0x4e: {  	v4 =	vld [tilespmem:s30+$0x4F20];
	[tilespmem:s29+$0xEF60] =	vst v0  }
0x4f: {  	v0 =	vadd.bf16 v6, v1;
	v1 =	vld [tilespmem:s30+$0x9F20]  }
0x50: {  	v6 =	vld [tilespmem:s30+$0x4F30]  }
0x51: {  	v3 =	vadd.bf16 v3, v7;
	[tilespmem:s30+$0xEF70] =	vst v0;
	v0 =	vld [tilespmem:s30+$0x9F30]  }
0x52: {  	v7 =	vld [tilespmem:s30+$0x9F60]  }
0x53: {  	[tilespmem:s30+$0xEF00] =	vst v3;
	v2 =	vadd.bf16 v2, v5;
	v3 =	vld [tilespmem:s30+$0x4F40]  }
0x54: {  	v5 =	vld [tilespmem:s30+$0x9F40]  }
0x55: {  	[tilespmem:s30+$0xEF10] =	vst v2;
	v1 =	vadd.bf16 v1, v4;
	v2 =	vld [tilespmem:s30+$0x4F50]  }
0x56: {  	v4 =	vld [tilespmem:s30+$0x9F50]  }
0x57: {  	[tilespmem:s30+$0xEF20] =	vst v1;
	v1 =	vld [tilespmem:s30+$0x4F60];
	_ =	sdelay $0x1  }
0x58: {  	v0 =	vadd.bf16 v0, v6  }
0x59: {  	v3 =	vadd.bf16 v5, v3  }
0x5a: {  	[tilespmem:s30+$0xEF30] =	vst v0;
	v0 =	vadd.bf16 v4, v2  }
0x5b: {  	s29 =	sadd.s32 s4, s28;
	[tilespmem:s30+$0xEF40] =	vst v3;
	v1 =	vadd.bf16 v7, v1  }
0x5c: {  	s29 =	sshll.u32 s29, $0x4;
	[tilespmem:s30+$0xEF50] =	vst v0  }
0x5d: {  	s29 =	sadd.s32 s6, s29;
	[tilespmem:s30+$0xEF60] =	vst v1;
	s30 =	simm.s32 $0x0  }
0x5e: {  	[hbm4b:s29+s30] =	stream.linear.scatter [tilespmem:s19], [sflag:$0x3], $0x2800, $0x38;
	[tilespmem:$0x13F00] =	vst v63  }
0x5f: {  	_ =	swait.ge [sflag:s20], $0x2800  }
0x60: {  	[sflag:s20] =	ssyncset.done $0x0  }
0x61: {  	s29 =	sadd.s32 $0xA0, s28;
	[sflag:s20] =	ssyncadd.s32 $0xFFFFD800  }
0x62: {  	[tilespmem:s14], [sflag:$0x1] =	stream.indirect.gather [hbm4b:s5+s13], $0x80, s29, s13, $0xb8;
	[tilespmem:$0x13F00] =	vst v63  }
0x63: {  	s28 =	sadd.s32 $0x2820, s28  }
0x64: {  	[tilespmem:s15], [sflag:$0x1] =	stream.indirect.gather [hbm4b:s2+s13], $0x80, s28, s13, $0xb8;
	[tilespmem:$0x13F00] =	vst v63  }
0x65: {  	_ =	swait.ge [sflag:s21], $0x2800  }
0x66: {  	[sflag:s21] =	ssyncset.done $0x0  }
0x67: {  	[sflag:s21] =	ssyncadd.s32 $0xFFFFD800  }
0x68: {  	_ =	swait.ge [sflag:s21], $0x2800  }
0x69: {  	[sflag:s21] =	ssyncset.done $0x0  }
0x6a: {  	s28 =	simm.s32 $0x0;
	[sflag:s21] =	ssyncadd.s32 $0xFFFFD800  }
0x6b: {  	v0 =	vld [tilespmem:s28+$0x7770]  }
0x6c: {  	v1 =	vld [tilespmem:s28+$0xC770]  }
0x6d: {  	v2 =	vld [tilespmem:s28+$0x7700]  }
0x6e: {  	v3 =	vld [tilespmem:s28+$0xC700]  }
0x6f: {  	v4 =	vld [tilespmem:s28+$0x7710]  }
0x70: {  	v5 =	vld [tilespmem:s28+$0xC710]  }
0x71: {  	v6 =	vld [tilespmem:s28+$0x7720]  }
0x72: {  	v7 =	vld [tilespmem:s28+$0x7730]  }
0x73: {  	v0 =	vadd.bf16 v1, v0;
	v1 =	vld [tilespmem:s28+$0xC720]  }
0x74: {  	v8 =	vld [tilespmem:s28+$0xC730]  }
0x75: {  	v9 =	vld [tilespmem:s28+$0xC740];
	v2 =	vadd.bf16 v3, v2  }
0x76: {  	[tilespmem:s28+$0x11770] =	vst v0;
	v0 =	vadd.bf16 v5, v4;
	v5 =	vld [tilespmem:s28+$0x7740]  }
0x77: {  	v3 =	vld [tilespmem:s28+$0xC750];
	[tilespmem:s28+$0x11700] =	vst v2  }
0x78: {  	v2 =	vld [tilespmem:s28+$0x7750];
	[tilespmem:s28+$0x11710] =	vst v0;
	v0 =	vadd.bf16 v1, v6  }
0x79: {  	v4 =	vld [tilespmem:s28+$0xC760];
	v6 =	vadd.bf16 v8, v7  }
0x7a: {  	s29 =	simm.s32 $0x80;
	[tilespmem:s28+$0x11720] =	vst v0;
	v0 =	vld [tilespmem:s28+$0x7760]  }
0x7b: {  	s30 =	simm.s32 $0x400;
	v5 =	vadd.bf16 v9, v5;
	v1 =	vld [tilespmem:s29+$0x7770];
	[tilespmem:s28+$0x11730] =	vst v6  }
.LBB2_5:
0x7c: {  	p0 =	sne.s32 s30, $0x9E00;
	v6 =	vld [tilespmem:s29+$0xC770]  }
0x7d: {  	v7 =	vld [tilespmem:s29+$0x7700];
	[tilespmem:s28+$0x11740] =	vst v5;
	v2 =	vadd.bf16 v3, v2  }
0x7e: {  	v3 =	vld [tilespmem:s29+$0xC700]  }
0x7f: {  	v5 =	vld [tilespmem:s29+$0x7710];
	[tilespmem:s28+$0x11750] =	vst v2;
	v0 =	vadd.bf16 v4, v0  }
0x80: {  	v2 =	vld [tilespmem:s29+$0xC710]  }
0x81: {  	v4 =	vld [tilespmem:s29+$0x7720];
	v1 =	vadd.bf16 v6, v1;
	[tilespmem:s28+$0x11760] =	vst v0;
	s28 =	smov.u32 s29  }
0x82: {  	v0 =	vld [tilespmem:s28+$0xC720]  }
0x83: {  	v3 =	vadd.bf16 v3, v7;
	v6 =	vld [tilespmem:s28+$0x7730];
	[tilespmem:s28+$0x11770] =	vst v1  }
0x84: {  	v1 =	vld [tilespmem:s28+$0xC730]  }
0x85: {  	[tilespmem:s28+$0x11700] =	vst v3;
	v2 =	vadd.bf16 v2, v5;
	v5 =	vld [tilespmem:s28+$0x7740]  }
0x86: {  	v7 =	vld [tilespmem:s28+$0xC740]  }
.Ltmp1:
0x87: {  	[tilespmem:s28+$0x11710] =	vst v2;
	v0 =	vadd.bf16 v0, v4;
	v2 =	vld [tilespmem:s28+$0x7750];
	(pc) =	sbr.rel @p0 .LBB2_5-.Ltmp1, $4  }
0x88: {  	v3 =	vld [tilespmem:s28+$0xC750]  }
0x89: {  	[tilespmem:s28+$0x11720] =	vst v0;
	v6 =	vadd.bf16 v1, v6;
	v0 =	vld [tilespmem:s28+$0x7760]  }
0x8a: {  	s29 =	sshra.s32 s30, $0x2;
	v4 =	vld [tilespmem:s28+$0xC760]  }
0x8b: {  	s30 =	sadd.s32 $0x200, s30;
	v1 =	vld [tilespmem:s29+$0x7770];
	[tilespmem:s28+$0x11730] =	vst v6;
	v5 =	vadd.bf16 v7, v5  }
0x8c: {  	v6 =	vld [tilespmem:s29+$0xC770]  }
0x8d: {  	v7 =	vld [tilespmem:s29+$0x7700];
	[tilespmem:s28+$0x11740] =	vst v5;
	v2 =	vadd.bf16 v3, v2  }
0x8e: {  	v51 =	vld [tilespmem:s29+$0xC700]  }
0x8f: {  	v5 =	vld [tilespmem:s29+$0x7710];
	[tilespmem:s28+$0x11750] =	vst v2;
	v0 =	vadd.bf16 v4, v0  }
0x90: {  	v2 =	vld [tilespmem:s29+$0xC710]  }
0x91: {  	v52 =	vld [tilespmem:s29+$0x7720];
	[tilespmem:s28+$0x11760] =	vst v0  }
0x92: {  	v54 =	vld [tilespmem:s29+$0xC720]  }
0x93: {  	v55 =	vld [tilespmem:s29+$0x7730]  }
0x94: {  	v56 =	vld [tilespmem:s29+$0xC730]  }
0x95: {  	v57 =	vld [tilespmem:s29+$0x7740]  }
0x96: {  	v58 =	vld [tilespmem:s29+$0xC740]  }
0x97: {  	v59 =	vld [tilespmem:s29+$0x7750]  }
0x98: {  	v53 =	vadd.bf16 v6, v1;
	v60 =	vld [tilespmem:s29+$0xC750]  }
0x99: {  	v61 =	vld [tilespmem:s29+$0x7760];
	v3 =	vadd.bf16 v51, v7  }
0x9a: {  	v62 =	vld [tilespmem:s29+$0xC760];
	[tilespmem:s29+$0x11770] =	vst v53;
	v2 =	vadd.bf16 v2, v5  }
0x9b: {  	[tilespmem:s29+$0x11700] =	vst v3;
	v1 =	vadd.bf16 v54, v52  }
0x9c: {  	s25 =	sadd.s32 $0x1, s25;
	[tilespmem:s29+$0x11710] =	vst v2;
	v0 =	vadd.bf16 v56, v55  }
0x9d: {  	p0 =	sne.s32 s25, $0x3E;
	v3 =	vadd.bf16 v58, v57;
	[tilespmem:s29+$0x11720] =	vst v1  }
.Ltmp2:
0x9e: {  	v63 =	vadd.bf16 v60, v59;
	[tilespmem:s29+$0x11730] =	vst v0;
	(pc) =	sbr.rel @p0 .LBB2_2-.Ltmp2, $4  }
0x9f: {  	s26 =	sadd.s32 s4, s26;
	[tilespmem:s29+$0x11740] =	vst v3;
	v1 =	vadd.bf16 v62, v61  }
0xa0: {  	s26 =	sshll.u32 s26, $0x4;
	[tilespmem:s29+$0x11750] =	vst v63  }
0xa1: {  	s26 =	sadd.s32 s6, s26;
	[tilespmem:s29+$0x11760] =	vst v1  }
0xa2: {  	[hbm4b:s26+s3] =	stream.linear.scatter [tilespmem:s22], [sflag:$0x4], $0x2800, $0x38;
	[tilespmem:$0x13F00] =	vst v63  }
0xa3: {  	_ =	swait.ge [sflag:s18], $0x2800  }
0xa4: {  	[sflag:s18] =	ssyncset.done $0x0  }
0xa5: {  	[sflag:s18] =	ssyncadd.s32 $0xFFFFD800  }
0xa6: {  	_ =	swait.ge [sflag:s18], $0x2800  }
0xa7: {  	[sflag:s18] =	ssyncset.done $0x0  }
0xa8: {  	s25 =	simm.s32 $0x0;
	[sflag:s18] =	ssyncadd.s32 $0xFFFFD800  }
0xa9: {  	v0 =	vld [tilespmem:s25+$0x4F70]  }
0xaa: {  	v1 =	vld [tilespmem:s25+$0x9F70]  }
0xab: {  	v2 =	vld [tilespmem:s25+$0x4F00]  }
0xac: {  	v3 =	vld [tilespmem:s25+$0x9F00]  }
0xad: {  	v4 =	vld [tilespmem:s25+$0x4F10]  }
0xae: {  	v5 =	vld [tilespmem:s25+$0x9F10]  }
0xaf: {  	v6 =	vld [tilespmem:s25+$0x4F20]  }
0xb0: {  	v7 =	vld [tilespmem:s25+$0x4F30]  }
0xb1: {  	v0 =	vadd.bf16 v1, v0;
	v1 =	vld [tilespmem:s25+$0x9F20]  }
0xb2: {  	v8 =	vld [tilespmem:s25+$0x9F30]  }
0xb3: {  	v9 =	vld [tilespmem:s25+$0x9F40];
	v2 =	vadd.bf16 v3, v2  }
0xb4: {  	[tilespmem:s25+$0xEF70] =	vst v0;
	v0 =	vadd.bf16 v5, v4;
	v5 =	vld [tilespmem:s25+$0x4F40]  }
0xb5: {  	v3 =	vld [tilespmem:s25+$0x9F50];
	[tilespmem:s25+$0xEF00] =	vst v2  }
0xb6: {  	v2 =	vld [tilespmem:s25+$0x4F50];
	[tilespmem:s25+$0xEF10] =	vst v0;
	v0 =	vadd.bf16 v1, v6  }
0xb7: {  	v4 =	vld [tilespmem:s25+$0x9F60];
	v6 =	vadd.bf16 v8, v7  }
0xb8: {  	s26 =	simm.s32 $0x80;
	[tilespmem:s25+$0xEF20] =	vst v0;
	v0 =	vld [tilespmem:s25+$0x4F60]  }
0xb9: {  	s28 =	simm.s32 $0x400;
	v5 =	vadd.bf16 v9, v5;
	v1 =	vld [tilespmem:s26+$0x4F70];
	[tilespmem:s25+$0xEF30] =	vst v6  }
.LBB2_8:
0xba: {  	p0 =	sne.s32 s28, $0x9E00;
	v6 =	vld [tilespmem:s26+$0x9F70]  }
0xbb: {  	v7 =	vld [tilespmem:s26+$0x4F00];
	[tilespmem:s25+$0xEF40] =	vst v5;
	v2 =	vadd.bf16 v3, v2  }
0xbc: {  	v3 =	vld [tilespmem:s26+$0x9F00]  }
0xbd: {  	v5 =	vld [tilespmem:s26+$0x4F10];
	[tilespmem:s25+$0xEF50] =	vst v2;
	v0 =	vadd.bf16 v4, v0  }
0xbe: {  	v2 =	vld [tilespmem:s26+$0x9F10]  }
0xbf: {  	v4 =	vld [tilespmem:s26+$0x4F20];
	v1 =	vadd.bf16 v6, v1;
	[tilespmem:s25+$0xEF60] =	vst v0;
	s25 =	smov.u32 s26  }
0xc0: {  	v0 =	vld [tilespmem:s25+$0x9F20]  }
0xc1: {  	v3 =	vadd.bf16 v3, v7;
	v6 =	vld [tilespmem:s25+$0x4F30];
	[tilespmem:s25+$0xEF70] =	vst v1  }
0xc2: {  	v1 =	vld [tilespmem:s25+$0x9F30]  }
0xc3: {  	[tilespmem:s25+$0xEF00] =	vst v3;
	v2 =	vadd.bf16 v2, v5;
	v5 =	vld [tilespmem:s25+$0x4F40]  }
0xc4: {  	v7 =	vld [tilespmem:s25+$0x9F40]  }
.Ltmp3:
0xc5: {  	[tilespmem:s25+$0xEF10] =	vst v2;
	v0 =	vadd.bf16 v0, v4;
	v2 =	vld [tilespmem:s25+$0x4F50];
	(pc) =	sbr.rel @p0 .LBB2_8-.Ltmp3, $4  }
0xc6: {  	v3 =	vld [tilespmem:s25+$0x9F50]  }
0xc7: {  	[tilespmem:s25+$0xEF20] =	vst v0;
	v6 =	vadd.bf16 v1, v6;
	v0 =	vld [tilespmem:s25+$0x4F60]  }
0xc8: {  	s26 =	sshra.s32 s28, $0x2;
	v4 =	vld [tilespmem:s25+$0x9F60]  }
0xc9: {  	s28 =	sadd.s32 $0x200, s28;
	v1 =	vld [tilespmem:s26+$0x4F70];
	[tilespmem:s25+$0xEF30] =	vst v6;
	v5 =	vadd.bf16 v7, v5  }
0xca: {  	v6 =	vld [tilespmem:s26+$0x9F70]  }
0xcb: {  	v7 =	vld [tilespmem:s26+$0x4F00];
	[tilespmem:s25+$0xEF40] =	vst v5;
	v2 =	vadd.bf16 v3, v2  }
0xcc: {  	v51 =	vld [tilespmem:s26+$0x9F00]  }
0xcd: {  	v5 =	vld [tilespmem:s26+$0x4F10];
	[tilespmem:s25+$0xEF50] =	vst v2;
	v0 =	vadd.bf16 v4, v0  }
0xce: {  	v2 =	vld [tilespmem:s26+$0x9F10]  }
0xcf: {  	v52 =	vld [tilespmem:s26+$0x4F20];
	[tilespmem:s25+$0xEF60] =	vst v0  }
0xd0: {  	v54 =	vld [tilespmem:s26+$0x9F20]  }
0xd1: {  	v55 =	vld [tilespmem:s26+$0x4F30]  }
0xd2: {  	v56 =	vld [tilespmem:s26+$0x9F30]  }
0xd3: {  	v57 =	vld [tilespmem:s26+$0x4F40]  }
0xd4: {  	v58 =	vld [tilespmem:s26+$0x9F40]  }
0xd5: {  	v59 =	vld [tilespmem:s26+$0x4F50]  }
0xd6: {  	v53 =	vadd.bf16 v6, v1;
	v60 =	vld [tilespmem:s26+$0x9F50]  }
0xd7: {  	v61 =	vld [tilespmem:s26+$0x4F60];
	v3 =	vadd.bf16 v51, v7  }
0xd8: {  	v62 =	vld [tilespmem:s26+$0x9F60];
	[tilespmem:s26+$0xEF70] =	vst v53;
	v2 =	vadd.bf16 v2, v5  }
0xd9: {  	[tilespmem:s26+$0xEF00] =	vst v3;
	v1 =	vadd.bf16 v54, v52  }
0xda: {  	[tilespmem:s26+$0xEF10] =	vst v2;
	v0 =	vadd.bf16 v56, v55  }
0xdb: {  	v3 =	vadd.bf16 v58, v57;
	[tilespmem:s26+$0xEF20] =	vst v1  }
0xdc: {  	v63 =	vadd.bf16 v60, v59;
	[tilespmem:s26+$0xEF30] =	vst v0  }
0xdd: {  	[tilespmem:s26+$0xEF40] =	vst v3;
	v1 =	vadd.bf16 v62, v61  }
0xde: {  	[tilespmem:s26+$0xEF50] =	vst v63  }
0xdf: {  	s24 =	sadd.s32 $0x1, s24;
	[tilespmem:s26+$0xEF60] =	vst v1  }
0xe0: {  	[hbm4b:s9+s3] =	stream.linear.scatter [tilespmem:s19], [sflag:$0x3], $0x2800, $0x38;
	[tilespmem:$0x13F00] =	vst v63  }
0xe1: {  	p0 =	sne.s32 s24, s10;
	_ =	swait.ge [sflag:s20], $0x2800  }
.Ltmp4:
0xe2: {  	[sflag:s20] =	ssyncset.done $0x0;
	(pc) =	sbr.rel @p0 .LBB2_1-.Ltmp4, $4  }
0xe3: {  	[sflag:s20] =	ssyncadd.s32 $0xFFFFD800  }
0xe4: {  	_ =	swait.ge [sflag:s23], $0x2800  }
0xe5: {  	[sflag:s23] =	ssyncset.done $0x0  }
0xe6: {  	[sflag:s23] =	ssyncadd.s32 $0xFFFFD800  }
0xe7: {  	_ =	sfence.sel $0x180000  }
0xe8: {  	[bflag:$0x0] =	sbarrier.arrive $0xFFFF  }
0xe9: {  	p0 =	sne.s32 s0, $0x0;
	_ =	strace $0x9000004A  }
0xea: {  	s0 =	sadd.s32 @!p0 $0x100000, s1;
	[bflag:$0x2] =	sbarrier.arrive $0xFFFF  }
0xeb: {  	[sflag:s0] =	ssyncadd.tile.s32 @!p0 $0x1;
	_ =	shalt  }
.Lfunc_end2:
_tile_overlayer_lowered:
.L_overlay_start_2:
0xec: {  	(tag) =	ssettag $0x2  }
0xed: {  	s0 =	rddreg [dreg:$0x0];
	s2 =	stileid.u32  }
0xee: {  	s1 =	rddreg [dreg:$0x1];
	p0 =	sne.s32 s2, $0x0  }
0xef: {  	s3 =	rddreg [dreg:$0x2];
	[bflag:$0x3] =	sbarrier.arrive $0xFFFF;
	s2 =	simm.s32 @!p0 $0x1C05  }
0xf0: {  	[timem:s3], [sflag:s2] =	dma.local @!p0 [hbm:s0], s1  }
0xf1: {  	s0 =	simm.s32 @!p0 $0x5  }
0xf2: {  	_ =	swait.ge @!p0 [sflag:s0], s1  }
0xf3: {  	s1 =	ssub.s32 @!p0 $0x0, s1;
	[sflag:s0] =	ssyncset.done @!p0 $0x0  }
0xf4: {  	[sflag:s0] =	ssyncadd.s32 @!p0 s1  }
0xf5: {  	[bflag:$0x3] =	sbarrier.arrive $0xFFFF  }
0xf6: {  	_ =	shalt  }

</sc_bundles>
